<compile_context>
chip_gen: v7x
topology: tpu7x:2x2x1
jax: 0.10.2.dev20260603
libtpu: 0.0.44.dev20260713+nightly
codegen_flags: <defaults>
</compile_context>

<pallas_src>
import jax
import jax.numpy as jnp
from jax import lax
from jax.experimental import pallas as pl
from jax.experimental.pallas import tpu as pltpu
from jax.experimental.pallas import tpu_sc as plsc

N_NODES = 10000
N_EDGES = 320000
NC = 2
NS = 16
EDGES_PER_TILE = N_EDGES // (NC * NS)
R_LO = 624
R_HI = N_NODES - 15 * R_LO
CHUNK = 128
N_FULL = EDGES_PER_TILE // CHUNK
TAIL = EDGES_PER_TILE - N_FULL * CHUNK
N_CH = 81
EPT_PAD = N_CH * CHUNK
TRASH = N_NODES
ACC_ROWS = N_NODES + 8
ZERO_HI = R_HI + 8


def _zero_rows(sid, zeros_hbm, sh_dst, hi):
    @pl.when(sid < 15)
    def _():
        pltpu.sync_copy(zeros_hbm.at[pl.ds(0, R_LO)],
                        sh_dst.at[pl.ds(sid * R_LO, R_LO)])

    @pl.when(sid == 15)
    def _():
        pltpu.sync_copy(zeros_hbm, sh_dst.at[pl.ds(15 * R_LO, hi)])


def _stage_rows(sid, hbm_src, sh_dst):
    @pl.when(sid < 15)
    def _():
        pltpu.sync_copy(hbm_src.at[pl.ds(sid * R_LO, R_LO)],
                        sh_dst.at[pl.ds(sid * R_LO, R_LO)])

    @pl.when(sid == 15)
    def _():
        pltpu.sync_copy(hbm_src.at[pl.ds(15 * R_LO, R_HI)],
                        sh_dst.at[pl.ds(15 * R_LO, R_HI)])


def _writeout_rows(cid, sid, sh_src, hbm_dst):
    @pl.when(sid < 15)
    def _():
        pltpu.sync_copy(sh_src.at[pl.ds(sid * R_LO, R_LO)],
                        hbm_dst.at[cid, pl.ds(sid * R_LO, R_LO)])

    @pl.when(sid == 15)
    def _():
        pltpu.sync_copy(sh_src.at[pl.ds(15 * R_LO, R_HI)],
                        hbm_dst.at[cid, pl.ds(15 * R_LO, R_HI)])


def _deg_body(dst_hbm, zeros_hbm, ones_hbm, out_hbm, acc,
              didx0, didx1, dst_t, ones_v, ones_t,
              isem0, isem1, ssem0, ssem1):
    cid = lax.axis_index("c")
    sid = lax.axis_index("s")
    wid = cid * NS + sid
    ebase = wid * EDGES_PER_TILE

    _zero_rows(sid, zeros_hbm, acc, R_HI)
    pltpu.sync_copy(ones_hbm, ones_v)
    pltpu.sync_copy(ones_hbm.at[pl.ds(0, TAIL)], ones_t)
    plsc.subcore_barrier()

    didx = (didx0, didx1)
    isem = (isem0, isem1)
    ssem = (ssem0, ssem1)

    pltpu.async_copy(dst_hbm.at[pl.ds(ebase, CHUNK)], didx0, isem0)

    def pair(k, carry):
        for b in (0, 1):
            j = 2 * k + b
            o = 1 - b

            def advance():
                pltpu.make_async_copy(ones_v, acc.at[didx[o]], ssem[o]).wait()
                pltpu.async_copy(
                    dst_hbm.at[pl.ds(ebase + (j + 1) * CHUNK, CHUNK)],
                    didx[o], isem[o])

            if b == 0:
                @pl.when(k >= 1)
                def _():
                    advance()

                @pl.when(k == 0)
                def _():
                    pltpu.async_copy(
                        dst_hbm.at[pl.ds(ebase + CHUNK, CHUNK)],
                        didx[o], isem[o])
            else:
                @pl.when(k < N_FULL // 2 - 1)
                def _():
                    advance()

            pltpu.make_async_copy(
                dst_hbm.at[pl.ds(ebase, CHUNK)], didx[b], isem[b]).wait()
            pltpu.async_copy(ones_v, acc.at[didx[b]], ssem[b], add=True)
        return carry

    lax.fori_loop(0, N_FULL // 2, pair, 0)
    pltpu.make_async_copy(ones_v, acc.at[didx0], ssem0).wait()
    pltpu.make_async_copy(ones_v, acc.at[didx1], ssem1).wait()

    pltpu.sync_copy(dst_hbm.at[pl.ds(ebase + N_FULL * CHUNK, TAIL)], dst_t)
    pltpu.sync_copy(ones_t, acc.at[dst_t], add=True)

    plsc.subcore_barrier()
    _writeout_rows(cid, sid, acc, out_hbm)


def _make_deg_kernel():
    mesh = plsc.VectorSubcoreMesh(core_axis_name="c", subcore_axis_name="s",
                                  num_cores=NC, num_subcores=NS)
    return pl.kernel(
        _deg_body,
        out_type=jax.ShapeDtypeStruct((NC, N_NODES, 1), jnp.float32),
        mesh=mesh,
        scratch_types=[
            pltpu.VMEM_SHARED((N_NODES, 1), jnp.float32),
            pltpu.VMEM((CHUNK,), jnp.int32),
            pltpu.VMEM((CHUNK,), jnp.int32),
            pltpu.VMEM((TAIL,), jnp.int32),
            pltpu.VMEM((CHUNK, 1), jnp.float32),
            pltpu.VMEM((TAIL, 1), jnp.float32),
            pltpu.SemaphoreType.DMA,
            pltpu.SemaphoreType.DMA,
            pltpu.SemaphoreType.DMA,
            pltpu.SemaphoreType.DMA,
        ],
    )


def _agg_body(src_hbm, dst_hbm, tbl_hbm, zeros_hbm, out_hbm,
              acc, tbl_sh, sidx0, sidx1, sidx2, didx0, didx1, didx2,
              rows0, rows1, rows2,
              isem0, isem1, isem2, gsem0, gsem1, gsem2,
              ssem0, ssem1, ssem2):
    cid = lax.axis_index("c")
    sid = lax.axis_index("s")
    wid = cid * NS + sid
    ebase = wid * EPT_PAD

    _zero_rows(sid, zeros_hbm, acc, ZERO_HI)
    _stage_rows(sid, tbl_hbm, tbl_sh)
    plsc.subcore_barrier()

    sidx = (sidx0, sidx1, sidx2)
    didx = (didx0, didx1, didx2)
    rows = (rows0, rows1, rows2)
    isem = (isem0, isem1, isem2)
    gsem = (gsem0, gsem1, gsem2)
    ssem = (ssem0, ssem1, ssem2)

    def load_idx(j, s):
        base = ebase + j * CHUNK
        pltpu.async_copy(src_hbm.at[pl.ds(base, CHUNK)], sidx[s], isem[s])
        pltpu.async_copy(dst_hbm.at[pl.ds(base, CHUNK)], didx[s], isem[s])

    def wait_idx(s):
        pltpu.make_async_copy(
            src_hbm.at[pl.ds(ebase, CHUNK)], sidx[s], isem[s]).wait()
        pltpu.make_async_copy(
            dst_hbm.at[pl.ds(ebase, CHUNK)], didx[s], isem[s]).wait()

    load_idx(0, 0)
    load_idx(1, 1)
    wait_idx(0)
    pltpu.async_copy(tbl_sh.at[sidx0], rows0, gsem0)

    def triple(k, carry):
        for b in (0, 1, 2):
            j = 3 * k + b
            r = b
            s1 = (b + 1) % 3
            s2 = (b + 2) % 3

            def gather_next():
                wait_idx(s1)
                pltpu.async_copy(tbl_sh.at[sidx[s1]], rows[s1], gsem[s1])

            def retire_and_prefetch():
                pltpu.make_async_copy(
                    rows[s2], acc.at[didx[s2]], ssem[s2]).wait()
                load_idx(j + 2, s2)

            if b == 0:
                @pl.when(k >= 1)
                def _():
                    retire_and_prefetch()

                @pl.when(k == 0)
                def _():
                    load_idx(2, s2)
            else:
                @pl.when(k < N_CH // 3 - 1)
                def _():
                    retire_and_prefetch()

                @pl.when(k == N_CH // 3 - 1)
                def _():
                    pltpu.make_async_copy(
                        rows[s2], acc.at[didx[s2]], ssem[s2]).wait()

            pltpu.make_async_copy(tbl_sh.at[sidx[r]], rows[r],
                                  gsem[r]).wait()
            if b == 2:
                @pl.when(k < N_CH // 3 - 1)
                def _():
                    gather_next()
            else:
                gather_next()
            pltpu.async_copy(rows[r], acc.at[didx[r]], ssem[r], add=True)
        return carry

    lax.fori_loop(0, N_CH // 3, triple, 0)
    pltpu.make_async_copy(rows2, acc.at[didx2], ssem2).wait()

    plsc.subcore_barrier()
    _writeout_rows(cid, sid, acc, out_hbm)


def _make_agg_kernel(d):
    mesh = plsc.VectorSubcoreMesh(core_axis_name="c", subcore_axis_name="s",
                                  num_cores=NC, num_subcores=NS)
    return pl.kernel(
        _agg_body,
        out_type=jax.ShapeDtypeStruct((NC, N_NODES, d), jnp.float32),
        mesh=mesh,
        scratch_types=[
            pltpu.VMEM_SHARED((ACC_ROWS, d), jnp.float32),
            pltpu.VMEM_SHARED((N_NODES, d), jnp.float32),
            pltpu.VMEM((CHUNK,), jnp.int32),
            pltpu.VMEM((CHUNK,), jnp.int32),
            pltpu.VMEM((CHUNK,), jnp.int32),
            pltpu.VMEM((CHUNK,), jnp.int32),
            pltpu.VMEM((CHUNK,), jnp.int32),
            pltpu.VMEM((CHUNK,), jnp.int32),
            pltpu.VMEM((CHUNK, d), jnp.float32),
            pltpu.VMEM((CHUNK, d), jnp.float32),
            pltpu.VMEM((CHUNK, d), jnp.float32),
            pltpu.SemaphoreType.DMA,
            pltpu.SemaphoreType.DMA,
            pltpu.SemaphoreType.DMA,
            pltpu.SemaphoreType.DMA,
            pltpu.SemaphoreType.DMA,
            pltpu.SemaphoreType.DMA,
            pltpu.SemaphoreType.DMA,
            pltpu.SemaphoreType.DMA,
            pltpu.SemaphoreType.DMA,
        ],
    )



def _tc_a_body(degp_ref, x_ref, w1_ref, h1s_ref, dinv_ref):
    deg = degp_ref[:, 0:1] + degp_ref[:, 1:2] + 1.0
    dinv = lax.rsqrt(deg)
    h1 = jnp.dot(x_ref[...], w1_ref[...], preferred_element_type=jnp.float32)
    h1s_ref[...] = h1 * dinv
    dinv_ref[...] = dinv


def _tc_b_body(a0_ref, a1_ref, h1s_ref, dinv_ref, b1_ref, w2_ref, h2s_ref):
    agg = a0_ref[...] + a1_ref[...] + h1s_ref[...]
    out1 = agg * dinv_ref[...] + b1_ref[...]
    z = jnp.maximum(out1, 0.0)
    h2 = jnp.dot(z, w2_ref[...], preferred_element_type=jnp.float32)
    h2s_ref[...] = h2 * dinv_ref[...]


def _tc_c_body(a0_ref, a1_ref, h2s_ref, dinv_ref, b2_ref, out_ref):
    agg = a0_ref[...] + a1_ref[...] + h2s_ref[...]
    o = agg * dinv_ref[...] + b2_ref[...]
    col = lax.broadcasted_iota(jnp.int32, o.shape, 1)
    valid = col < 3
    om = jnp.where(valid, o, -jnp.inf)
    m = jnp.max(om, axis=1, keepdims=True)
    e = jnp.where(valid, jnp.exp(o - m), 0.0)
    s = jnp.sum(e, axis=1, keepdims=True)
    out_ref[...] = o - m - jnp.log(s)


def kernel(x, edge_index, W1, b1, W2, b2):
    src = edge_index[0].astype(jnp.int32)
    dst = edge_index[1].astype(jnp.int32)
    pad_w = ((0, 0), (0, EPT_PAD - EDGES_PER_TILE))
    src_p = jnp.pad(src.reshape(NC * NS, EDGES_PER_TILE), pad_w).reshape(-1)
    dst_p = jnp.pad(dst.reshape(NC * NS, EDGES_PER_TILE), pad_w,
                    constant_values=TRASH).reshape(-1)

    zeros1 = jnp.zeros((R_HI, 1), jnp.float32)
    ones_c = jnp.ones((CHUNK, 1), jnp.float32)

    degp = _make_deg_kernel()(dst, zeros1, ones_c)
    degp2 = jnp.transpose(degp[:, :, 0])

    h1s, dinv = pl.pallas_call(
        _tc_a_body,
        out_shape=(
            jax.ShapeDtypeStruct((N_NODES, 64), jnp.float32),
            jax.ShapeDtypeStruct((N_NODES, 1), jnp.float32),
        ),
    )(degp2, x, W1)

    zeros64 = jnp.zeros((ZERO_HI, 64), jnp.float32)
    agg1 = _make_agg_kernel(64)(src_p, dst_p, h1s, zeros64)

    W2p = jnp.zeros((64, 16), jnp.float32).at[:, :3].set(W2)
    b2p = jnp.zeros((1, 16), jnp.float32).at[0, :3].set(b2)

    h2s = pl.pallas_call(
        _tc_b_body,
        out_shape=jax.ShapeDtypeStruct((N_NODES, 16), jnp.float32),
    )(agg1[0], agg1[1], h1s, dinv, b1.reshape(1, 64), W2p)

    zeros16 = jnp.zeros((ZERO_HI, 16), jnp.float32)
    agg2 = _make_agg_kernel(16)(src_p, dst_p, h2s, zeros16)

    out16 = pl.pallas_call(
        _tc_c_body,
        out_shape=jax.ShapeDtypeStruct((N_NODES, 16), jnp.float32),
    )(agg2[0], agg2[1], h2s, dinv, b2p)

    return out16[:, :3]

# --- scband reference (transcript-rebuilt; emitter-appended) ---
"""Pipeline reference for scband-proposed-gcn-4569845203117 (READ-ONLY COPY).

The authoritative reference and input builder live on the scoring server;
editing this copy changes nothing except your own understanding.
"""

import jax, jax.numpy as jnp
import numpy as np

N_NODES = 10000
N_EDGES = 320000
IN_DIM = 128
HID_DIM = 64
OUT_DIM = 3


def setup_inputs(seed: int = 0) -> dict:
    key = jax.random.key(seed)
    k1, k2, k3, k4, k5, k6 = jax.random.split(key, 6)
    x = jax.random.normal(k1, (N_NODES, IN_DIM), dtype=jnp.float32)
    edge_index = jax.random.randint(k2, (2, N_EDGES), 0, N_NODES, dtype=jnp.int64)
    # GCNConv layer 1 params (glorot-like init)
    W1 = jax.random.normal(k3, (IN_DIM, HID_DIM), dtype=jnp.float32) * (1.0 / np.sqrt(IN_DIM))
    b1 = jnp.zeros((HID_DIM,), dtype=jnp.float32)
    # GCNConv layer 2 params
    W2 = jax.random.normal(k4, (HID_DIM, OUT_DIM), dtype=jnp.float32) * (1.0 / np.sqrt(HID_DIM))
    b2 = jnp.zeros((OUT_DIM,), dtype=jnp.float32)
    return {"x": x, "edge_index": edge_index, "W1": W1, "b1": b1, "W2": W2, "b2": b2}


def _gcn_conv(x, edge_index, W, b, num_nodes):
    # Faithful PyG GCNConv: x' = D^{-1/2} (A + I) D^{-1/2} (X W) + b
    h = x @ W
    src = edge_index[0]
    dst = edge_index[1]
    # add self loops
    loop = jnp.arange(num_nodes, dtype=src.dtype)
    src = jnp.concatenate([src, loop])
    dst = jnp.concatenate([dst, loop])
    # symmetric normalization (degree computed on dst/col with unit edge weights)
    deg = jnp.zeros((num_nodes,), dtype=h.dtype).at[dst].add(1.0)
    deg_inv_sqrt = jnp.where(deg > 0, jax.lax.rsqrt(deg), 0.0)
    norm = deg_inv_sqrt[src] * deg_inv_sqrt[dst]
    # gather-message-scatter
    msg = h[src] * norm[:, None]
    out = jnp.zeros((num_nodes, h.shape[1]), dtype=h.dtype).at[dst].add(msg)
    return out + b


def reference(x, edge_index, W1, b1, W2, b2):
    num_nodes = x.shape[0]
    h = _gcn_conv(x, edge_index, W1, b1, num_nodes)
    h = jax.nn.relu(h)
    h = _gcn_conv(h, edge_index, W2, b2, num_nodes)
    return jax.nn.log_softmax(h, axis=1)

if __name__ == "__main__":
    import jax
    _d = setup_inputs()
    print(jax.jit(kernel)(*tuple(_d.values())))

</pallas_src>

<mosaic_0001>
#map = affine_map<(d0, d1) -> (0)>
#map1 = affine_map<(d0, d1) -> (0, 0)>
#map2 = affine_map<(d0, d1) -> (0, 0, 0)>
module attributes {stable_mosaic.version = 14 : i64} {
  func.func @_agg_body(%arg0: i32, %arg1: i32, %arg2: memref<331776xi32, #tpu.memory_space<hbm>>, %arg3: memref<331776xi32, #tpu.memory_space<hbm>>, %arg4: memref<10000x64xf32, #tpu.memory_space<hbm>>, %arg5: memref<648x64xf32, #tpu.memory_space<hbm>>, %arg6: memref<2x10000x64xf32, #tpu.memory_space<hbm>>, %arg7: memref<10008x64xf32, #tpu.memory_space<vmem_shared>>, %arg8: memref<10000x64xf32, #tpu.memory_space<vmem_shared>>, %arg9: memref<128xi32, #tpu.memory_space<vmem>>, %arg10: memref<128xi32, #tpu.memory_space<vmem>>, %arg11: memref<128xi32, #tpu.memory_space<vmem>>, %arg12: memref<128xi32, #tpu.memory_space<vmem>>, %arg13: memref<128xi32, #tpu.memory_space<vmem>>, %arg14: memref<128xi32, #tpu.memory_space<vmem>>, %arg15: memref<128x64xf32, #tpu.memory_space<vmem>>, %arg16: memref<128x64xf32, #tpu.memory_space<vmem>>, %arg17: memref<128x64xf32, #tpu.memory_space<vmem>>, %arg18: memref<!tpu.dma_semaphore, #tpu.memory_space<semaphore_mem>>, %arg19: memref<!tpu.dma_semaphore, #tpu.memory_space<semaphore_mem>>, %arg20: memref<!tpu.dma_semaphore, #tpu.memory_space<semaphore_mem>>, %arg21: memref<!tpu.dma_semaphore, #tpu.memory_space<semaphore_mem>>, %arg22: memref<!tpu.dma_semaphore, #tpu.memory_space<semaphore_mem>>, %arg23: memref<!tpu.dma_semaphore, #tpu.memory_space<semaphore_mem>>, %arg24: memref<!tpu.dma_semaphore, #tpu.memory_space<semaphore_mem>>, %arg25: memref<!tpu.dma_semaphore, #tpu.memory_space<semaphore_mem>>, %arg26: memref<!tpu.dma_semaphore, #tpu.memory_space<semaphore_mem>>) attributes {dimension_semantics = [#tpu.dimension_semantics<core_parallel>, #tpu.dimension_semantics<subcore_parallel>], iteration_bounds = array<i64: 2, 16>, scalar_prefetch = 0 : i64, scratch_operands = 20 : i64, tpu.core_type = #tpu.core_type<sc_vector_subcore>, window_params = [{transform_indices = #map}, {transform_indices = #map}, {transform_indices = #map1}, {transform_indices = #map1}, {transform_indices = #map2}]} {
    %mul3A = arith.constant 16 : i32
    %mul3A_0 = arith.muli %arg0, %mul3A : i32
    %add3A = arith.addi %mul3A_0, %arg1 : i32
    %mul3A_1 = arith.constant 10368 : i32
    %mul3A_2 = arith.muli %add3A, %mul3A_1 : i32
    %lt3A = arith.constant 15 : i32
    %lt3A_3 = arith.cmpi slt, %arg1, %lt3A : i32
    %convert_element_type3A = arith.extui %lt3A_3 : i1 to i32
    %cond3A = arith.constant 0 : i32
    %cond3A_4 = arith.cmpi ne, %convert_element_type3A, %cond3A : i32
    scf.if %cond3A_4 {
      %mul3A_55 = arith.constant 624 : i32
      %mul3A_56 = arith.muli %arg1, %mul3A_55 : i32
      "tpu.region"() ({
        %run_scoped3A = tpu.sem_alloc : memref<!tpu.dma_semaphore, #tpu.memory_space<semaphore_mem>>
        %dma_start3A_57 = arith.constant 0 : i32
        %dma_start3A_58 = tpu.memref_slice %arg7[%mul3A_56, %dma_start3A_57] : memref<10008x64xf32, #tpu.memory_space<vmem_shared>> -> memref<624x64xf32, #tpu.memory_space<vmem_shared>>
        %dma_start3A_59 = arith.constant 0 : i32
        %dma_start3A_60 = arith.constant 0 : i32
        %dma_start3A_61 = tpu.memref_slice %arg5[%dma_start3A_59, %dma_start3A_60] : memref<648x64xf32, #tpu.memory_space<hbm>> -> memref<624x64xf32, #tpu.memory_space<hbm>>
        tpu.enqueue_dma source(%dma_start3A_61 : memref<624x64xf32, #tpu.memory_space<hbm>>) target(%dma_start3A_58 : memref<624x64xf32, #tpu.memory_space<vmem_shared>>) target_semaphore(%run_scoped3A : memref<!tpu.dma_semaphore, #tpu.memory_space<semaphore_mem>>)
        %dma_wait3A_62 = arith.constant 0 : i32
        %dma_wait3A_63 = tpu.memref_slice %arg7[%mul3A_56, %dma_wait3A_62] : memref<10008x64xf32, #tpu.memory_space<vmem_shared>> -> memref<624x64xf32, #tpu.memory_space<vmem_shared>>
        %dma_wait3A_64 = arith.constant 0 : i32
        %dma_wait3A_65 = arith.constant 0 : i32
        %dma_wait3A_66 = tpu.memref_slice %arg5[%dma_wait3A_64, %dma_wait3A_65] : memref<648x64xf32, #tpu.memory_space<hbm>> -> memref<624x64xf32, #tpu.memory_space<hbm>>
        tpu.wait_dma2 semaphore(%run_scoped3A : memref<!tpu.dma_semaphore, #tpu.memory_space<semaphore_mem>>) src(%dma_wait3A_66 : memref<624x64xf32, #tpu.memory_space<hbm>>) dst(%dma_wait3A_63 : memref<624x64xf32, #tpu.memory_space<vmem_shared>>)
        tpu.yield
      }) : () -> ()
    } else {
    }
    %eq3A = arith.constant 15 : i32
    %eq3A_5 = arith.cmpi eq, %arg1, %eq3A : i32
    %convert_element_type3A_6 = arith.extui %eq3A_5 : i1 to i32
    %cond3A_7 = arith.constant 0 : i32
    %cond3A_8 = arith.cmpi ne, %convert_element_type3A_6, %cond3A_7 : i32
    scf.if %cond3A_8 {
      "tpu.region"() ({
        %run_scoped3A = tpu.sem_alloc : memref<!tpu.dma_semaphore, #tpu.memory_space<semaphore_mem>>
        %dma_start3A_55 = arith.constant 9360 : i32
        %dma_start3A_56 = arith.constant 0 : i32
        %dma_start3A_57 = tpu.memref_slice %arg7[%dma_start3A_55, %dma_start3A_56] : memref<10008x64xf32, #tpu.memory_space<vmem_shared>> -> memref<648x64xf32, #tpu.memory_space<vmem_shared>>
        tpu.enqueue_dma source(%arg5 : memref<648x64xf32, #tpu.memory_space<hbm>>) target(%dma_start3A_57 : memref<648x64xf32, #tpu.memory_space<vmem_shared>>) target_semaphore(%run_scoped3A : memref<!tpu.dma_semaphore, #tpu.memory_space<semaphore_mem>>)
        %dma_wait3A_58 = arith.constant 9360 : i32
        %dma_wait3A_59 = arith.constant 0 : i32
        %dma_wait3A_60 = tpu.memref_slice %arg7[%dma_wait3A_58, %dma_wait3A_59] : memref<10008x64xf32, #tpu.memory_space<vmem_shared>> -> memref<648x64xf32, #tpu.memory_space<vmem_shared>>
        tpu.wait_dma2 semaphore(%run_scoped3A : memref<!tpu.dma_semaphore, #tpu.memory_space<semaphore_mem>>) src(%arg5 : memref<648x64xf32, #tpu.memory_space<hbm>>) dst(%dma_wait3A_60 : memref<648x64xf32, #tpu.memory_space<vmem_shared>>)
        tpu.yield
      }) : () -> ()
    } else {
    }
    %lt3A_9 = arith.constant 15 : i32
    %lt3A_10 = arith.cmpi slt, %arg1, %lt3A_9 : i32
    %convert_element_type3A_11 = arith.extui %lt3A_10 : i1 to i32
    %cond3A_12 = arith.constant 0 : i32
    %cond3A_13 = arith.cmpi ne, %convert_element_type3A_11, %cond3A_12 : i32
    scf.if %cond3A_13 {
      %mul3A_55 = arith.constant 624 : i32
      %mul3A_56 = arith.muli %arg1, %mul3A_55 : i32
      %mul3A_57 = arith.constant 624 : i32
      %mul3A_58 = arith.muli %arg1, %mul3A_57 : i32
      "tpu.region"() ({
        %run_scoped3A = tpu.sem_alloc : memref<!tpu.dma_semaphore, #tpu.memory_space<semaphore_mem>>
        %dma_start3A_59 = arith.constant 0 : i32
        %dma_start3A_60 = tpu.memref_slice %arg8[%mul3A_58, %dma_start3A_59] : memref<10000x64xf32, #tpu.memory_space<vmem_shared>> -> memref<624x64xf32, #tpu.memory_space<vmem_shared>>
        %dma_start3A_61 = arith.constant 0 : i32
        %dma_start3A_62 = tpu.memref_slice %arg4[%mul3A_56, %dma_start3A_61] : memref<10000x64xf32, #tpu.memory_space<hbm>> -> memref<624x64xf32, #tpu.memory_space<hbm>>
        tpu.enqueue_dma source(%dma_start3A_62 : memref<624x64xf32, #tpu.memory_space<hbm>>) target(%dma_start3A_60 : memref<624x64xf32, #tpu.memory_space<vmem_shared>>) target_semaphore(%run_scoped3A : memref<!tpu.dma_semaphore, #tpu.memory_space<semaphore_mem>>)
        %dma_wait3A_63 = arith.constant 0 : i32
        %dma_wait3A_64 = tpu.memref_slice %arg8[%mul3A_58, %dma_wait3A_63] : memref<10000x64xf32, #tpu.memory_space<vmem_shared>> -> memref<624x64xf32, #tpu.memory_space<vmem_shared>>
        %dma_wait3A_65 = arith.constant 0 : i32
        %dma_wait3A_66 = tpu.memref_slice %arg4[%mul3A_56, %dma_wait3A_65] : memref<10000x64xf32, #tpu.memory_space<hbm>> -> memref<624x64xf32, #tpu.memory_space<hbm>>
        tpu.wait_dma2 semaphore(%run_scoped3A : memref<!tpu.dma_semaphore, #tpu.memory_space<semaphore_mem>>) src(%dma_wait3A_66 : memref<624x64xf32, #tpu.memory_space<hbm>>) dst(%dma_wait3A_64 : memref<624x64xf32, #tpu.memory_space<vmem_shared>>)
        tpu.yield
      }) : () -> ()
    } else {
    }
    %eq3A_14 = arith.constant 15 : i32
    %eq3A_15 = arith.cmpi eq, %arg1, %eq3A_14 : i32
    %convert_element_type3A_16 = arith.extui %eq3A_15 : i1 to i32
    %cond3A_17 = arith.constant 0 : i32
    %cond3A_18 = arith.cmpi ne, %convert_element_type3A_16, %cond3A_17 : i32
    scf.if %cond3A_18 {
      "tpu.region"() ({
        %run_scoped3A = tpu.sem_alloc : memref<!tpu.dma_semaphore, #tpu.memory_space<semaphore_mem>>
        %dma_start3A_55 = arith.constant 9360 : i32
        %dma_start3A_56 = arith.constant 0 : i32
        %dma_start3A_57 = tpu.memref_slice %arg8[%dma_start3A_55, %dma_start3A_56] : memref<10000x64xf32, #tpu.memory_space<vmem_shared>> -> memref<640x64xf32, #tpu.memory_space<vmem_shared>>
        %dma_start3A_58 = arith.constant 9360 : i32
        %dma_start3A_59 = arith.constant 0 : i32
        %dma_start3A_60 = tpu.memref_slice %arg4[%dma_start3A_58, %dma_start3A_59] : memref<10000x64xf32, #tpu.memory_space<hbm>> -> memref<640x64xf32, #tpu.memory_space<hbm>>
        tpu.enqueue_dma source(%dma_start3A_60 : memref<640x64xf32, #tpu.memory_space<hbm>>) target(%dma_start3A_57 : memref<640x64xf32, #tpu.memory_space<vmem_shared>>) target_semaphore(%run_scoped3A : memref<!tpu.dma_semaphore, #tpu.memory_space<semaphore_mem>>)
        %dma_wait3A_61 = arith.constant 9360 : i32
        %dma_wait3A_62 = arith.constant 0 : i32
        %dma_wait3A_63 = tpu.memref_slice %arg8[%dma_wait3A_61, %dma_wait3A_62] : memref<10000x64xf32, #tpu.memory_space<vmem_shared>> -> memref<640x64xf32, #tpu.memory_space<vmem_shared>>
        %dma_wait3A_64 = arith.constant 9360 : i32
        %dma_wait3A_65 = arith.constant 0 : i32
        %dma_wait3A_66 = tpu.memref_slice %arg4[%dma_wait3A_64, %dma_wait3A_65] : memref<10000x64xf32, #tpu.memory_space<hbm>> -> memref<640x64xf32, #tpu.memory_space<hbm>>
        tpu.wait_dma2 semaphore(%run_scoped3A : memref<!tpu.dma_semaphore, #tpu.memory_space<semaphore_mem>>) src(%dma_wait3A_66 : memref<640x64xf32, #tpu.memory_space<hbm>>) dst(%dma_wait3A_63 : memref<640x64xf32, #tpu.memory_space<vmem_shared>>)
        tpu.yield
      }) : () -> ()
    } else {
    }
    %barrier3A = arith.constant 0 : index
    tpu.barrier barrier_id(%barrier3A)
    %add3A_19 = arith.constant 0 : i32
    %add3A_20 = arith.addi %mul3A_2, %add3A_19 : i32
    %dma_start3A = tpu.memref_slice %arg2[%add3A_20] : memref<331776xi32, #tpu.memory_space<hbm>> -> memref<128xi32, #tpu.memory_space<hbm>>
    %dma_start3A_21 = tpu.memref_slice %arg2[%add3A_20] : memref<331776xi32, #tpu.memory_space<hbm>> -> memref<128xi32, #tpu.memory_space<hbm>>
    tpu.enqueue_dma source(%dma_start3A_21 : memref<128xi32, #tpu.memory_space<hbm>>) target(%arg9 : memref<128xi32, #tpu.memory_space<vmem>>) target_semaphore(%arg18 : memref<!tpu.dma_semaphore, #tpu.memory_space<semaphore_mem>>)
    %dma_start3A_22 = tpu.memref_slice %arg3[%add3A_20] : memref<331776xi32, #tpu.memory_space<hbm>> -> memref<128xi32, #tpu.memory_space<hbm>>
    %dma_start3A_23 = tpu.memref_slice %arg3[%add3A_20] : memref<331776xi32, #tpu.memory_space<hbm>> -> memref<128xi32, #tpu.memory_space<hbm>>
    tpu.enqueue_dma source(%dma_start3A_23 : memref<128xi32, #tpu.memory_space<hbm>>) target(%arg12 : memref<128xi32, #tpu.memory_space<vmem>>) target_semaphore(%arg18 : memref<!tpu.dma_semaphore, #tpu.memory_space<semaphore_mem>>)
    %add3A_24 = arith.constant 128 : i32
    %add3A_25 = arith.addi %mul3A_2, %add3A_24 : i32
    %dma_start3A_26 = tpu.memref_slice %arg2[%add3A_25] : memref<331776xi32, #tpu.memory_space<hbm>> -> memref<128xi32, #tpu.memory_space<hbm>>
    %dma_start3A_27 = tpu.memref_slice %arg2[%add3A_25] : memref<331776xi32, #tpu.memory_space<hbm>> -> memref<128xi32, #tpu.memory_space<hbm>>
    tpu.enqueue_dma source(%dma_start3A_27 : memref<128xi32, #tpu.memory_space<hbm>>) target(%arg10 : memref<128xi32, #tpu.memory_space<vmem>>) target_semaphore(%arg19 : memref<!tpu.dma_semaphore, #tpu.memory_space<semaphore_mem>>)
    %dma_start3A_28 = tpu.memref_slice %arg3[%add3A_25] : memref<331776xi32, #tpu.memory_space<hbm>> -> memref<128xi32, #tpu.memory_space<hbm>>
    %dma_start3A_29 = tpu.memref_slice %arg3[%add3A_25] : memref<331776xi32, #tpu.memory_space<hbm>> -> memref<128xi32, #tpu.memory_space<hbm>>
    tpu.enqueue_dma source(%dma_start3A_29 : memref<128xi32, #tpu.memory_space<hbm>>) target(%arg13 : memref<128xi32, #tpu.memory_space<vmem>>) target_semaphore(%arg19 : memref<!tpu.dma_semaphore, #tpu.memory_space<semaphore_mem>>)
    %dma_wait3A = tpu.memref_slice %arg2[%mul3A_2] : memref<331776xi32, #tpu.memory_space<hbm>> -> memref<128xi32, #tpu.memory_space<hbm>>
    %dma_wait3A_30 = tpu.memref_slice %arg2[%mul3A_2] : memref<331776xi32, #tpu.memory_space<hbm>> -> memref<128xi32, #tpu.memory_space<hbm>>
    tpu.wait_dma2 semaphore(%arg18 : memref<!tpu.dma_semaphore, #tpu.memory_space<semaphore_mem>>) src(%dma_wait3A_30 : memref<128xi32, #tpu.memory_space<hbm>>) dst(%arg9 : memref<128xi32, #tpu.memory_space<vmem>>)
    %dma_wait3A_31 = tpu.memref_slice %arg3[%mul3A_2] : memref<331776xi32, #tpu.memory_space<hbm>> -> memref<128xi32, #tpu.memory_space<hbm>>
    %dma_wait3A_32 = tpu.memref_slice %arg3[%mul3A_2] : memref<331776xi32, #tpu.memory_space<hbm>> -> memref<128xi32, #tpu.memory_space<hbm>>
    tpu.wait_dma2 semaphore(%arg18 : memref<!tpu.dma_semaphore, #tpu.memory_space<semaphore_mem>>) src(%dma_wait3A_32 : memref<128xi32, #tpu.memory_space<hbm>>) dst(%arg12 : memref<128xi32, #tpu.memory_space<vmem>>)
    %dma_start3A_33 = arith.constant 0 : i32
    %dma_start3A_34 = arith.constant 0 : i32
    %dma_start3A_35 = tpu.memref_slice %arg8[%dma_start3A_33, %dma_start3A_34] : memref<10000x64xf32, #tpu.memory_space<vmem_shared>> -> memref<10000x64xf32, #tpu.memory_space<vmem_shared>>
    tpu.enqueue_indirect_dma source(%dma_start3A_35 : memref<10000x64xf32, #tpu.memory_space<vmem_shared>>) target(%arg15 : memref<128x64xf32, #tpu.memory_space<vmem>>) offsets(%arg9 : memref<128xi32, #tpu.memory_space<vmem>>) semaphore(%arg21 : memref<!tpu.dma_semaphore, #tpu.memory_space<semaphore_mem>>)
    %scan3A = arith.constant 0 : i32
    %scan3A_36 = arith.constant 0 : i32
    %scan3A_37 = arith.constant 27 : i32
    %scan3A_38 = arith.addi %scan3A_36, %scan3A_37 : i32
    %scan3A_39 = arith.constant 1 : i32
    scf.for %scan3A_55 = %scan3A_36 to %scan3A_38 step %scan3A_39  : i32 {
      %mul3A_56 = arith.constant 3 : i32
      %mul3A_57 = arith.muli %mul3A_56, %scan3A_55 : i32
      %add3A_58 = arith.constant 0 : i32
      %add3A_59 = arith.addi %mul3A_57, %add3A_58 : i32
      %ge3A = arith.constant 1 : i32
      %ge3A_60 = arith.cmpi sge, %scan3A_55, %ge3A : i32
      %convert_element_type3A_61 = arith.extui %ge3A_60 : i1 to i32
      %cond3A_62 = arith.constant 0 : i32
      %cond3A_63 = arith.cmpi ne, %convert_element_type3A_61, %cond3A_62 : i32
      scf.if %cond3A_63 {
        %dma_wait3A_134 = arith.constant 0 : i32
        %dma_wait3A_135 = arith.constant 0 : i32
        %dma_wait3A_136 = tpu.memref_slice %arg7[%dma_wait3A_134, %dma_wait3A_135] : memref<10008x64xf32, #tpu.memory_space<vmem_shared>> -> memref<10008x64xf32, #tpu.memory_space<vmem_shared>>
        tpu.wait_indirect_dma semaphore(%arg26 : memref<!tpu.dma_semaphore, #tpu.memory_space<semaphore_mem>>) src(%arg17 : memref<128x64xf32, #tpu.memory_space<vmem>>) dst(%dma_wait3A_136 : memref<10008x64xf32, #tpu.memory_space<vmem_shared>>)
        %add3A_137 = arith.constant 2 : i32
        %add3A_138 = arith.addi %add3A_59, %add3A_137 : i32
        %mul3A_139 = arith.constant 128 : i32
        %mul3A_140 = arith.muli %add3A_138, %mul3A_139 : i32
        %add3A_141 = arith.addi %mul3A_2, %mul3A_140 : i32
        %dma_start3A_142 = tpu.memref_slice %arg2[%add3A_141] : memref<331776xi32, #tpu.memory_space<hbm>> -> memref<128xi32, #tpu.memory_space<hbm>>
        %dma_start3A_143 = tpu.memref_slice %arg2[%add3A_141] : memref<331776xi32, #tpu.memory_space<hbm>> -> memref<128xi32, #tpu.memory_space<hbm>>
        tpu.enqueue_dma source(%dma_start3A_143 : memref<128xi32, #tpu.memory_space<hbm>>) target(%arg11 : memref<128xi32, #tpu.memory_space<vmem>>) target_semaphore(%arg20 : memref<!tpu.dma_semaphore, #tpu.memory_space<semaphore_mem>>)
        %dma_start3A_144 = tpu.memref_slice %arg3[%add3A_141] : memref<331776xi32, #tpu.memory_space<hbm>> -> memref<128xi32, #tpu.memory_space<hbm>>
        %dma_start3A_145 = tpu.memref_slice %arg3[%add3A_141] : memref<331776xi32, #tpu.memory_space<hbm>> -> memref<128xi32, #tpu.memory_space<hbm>>
        tpu.enqueue_dma source(%dma_start3A_145 : memref<128xi32, #tpu.memory_space<hbm>>) target(%arg14 : memref<128xi32, #tpu.memory_space<vmem>>) target_semaphore(%arg20 : memref<!tpu.dma_semaphore, #tpu.memory_space<semaphore_mem>>)
      } else {
      }
      %eq3A_64 = arith.constant 0 : i32
      %eq3A_65 = arith.cmpi eq, %scan3A_55, %eq3A_64 : i32
      %convert_element_type3A_66 = arith.extui %eq3A_65 : i1 to i32
      %cond3A_67 = arith.constant 0 : i32
      %cond3A_68 = arith.cmpi ne, %convert_element_type3A_66, %cond3A_67 : i32
      scf.if %cond3A_68 {
        %add3A_134 = arith.constant 256 : i32
        %add3A_135 = arith.addi %mul3A_2, %add3A_134 : i32
        %dma_start3A_136 = tpu.memref_slice %arg2[%add3A_135] : memref<331776xi32, #tpu.memory_space<hbm>> -> memref<128xi32, #tpu.memory_space<hbm>>
        %dma_start3A_137 = tpu.memref_slice %arg2[%add3A_135] : memref<331776xi32, #tpu.memory_space<hbm>> -> memref<128xi32, #tpu.memory_space<hbm>>
        tpu.enqueue_dma source(%dma_start3A_137 : memref<128xi32, #tpu.memory_space<hbm>>) target(%arg11 : memref<128xi32, #tpu.memory_space<vmem>>) target_semaphore(%arg20 : memref<!tpu.dma_semaphore, #tpu.memory_space<semaphore_mem>>)
        %dma_start3A_138 = tpu.memref_slice %arg3[%add3A_135] : memref<331776xi32, #tpu.memory_space<hbm>> -> memref<128xi32, #tpu.memory_space<hbm>>
        %dma_start3A_139 = tpu.memref_slice %arg3[%add3A_135] : memref<331776xi32, #tpu.memory_space<hbm>> -> memref<128xi32, #tpu.memory_space<hbm>>
        tpu.enqueue_dma source(%dma_start3A_139 : memref<128xi32, #tpu.memory_space<hbm>>) target(%arg14 : memref<128xi32, #tpu.memory_space<vmem>>) target_semaphore(%arg20 : memref<!tpu.dma_semaphore, #tpu.memory_space<semaphore_mem>>)
      } else {
      }
      %dma_wait3A_69 = arith.constant 0 : i32
      %dma_wait3A_70 = arith.constant 0 : i32
      %dma_wait3A_71 = tpu.memref_slice %arg8[%dma_wait3A_69, %dma_wait3A_70] : memref<10000x64xf32, #tpu.memory_space<vmem_shared>> -> memref<10000x64xf32, #tpu.memory_space<vmem_shared>>
      tpu.wait_indirect_dma semaphore(%arg21 : memref<!tpu.dma_semaphore, #tpu.memory_space<semaphore_mem>>) src(%dma_wait3A_71 : memref<10000x64xf32, #tpu.memory_space<vmem_shared>>) dst(%arg15 : memref<128x64xf32, #tpu.memory_space<vmem>>)
      %dma_wait3A_72 = tpu.memref_slice %arg2[%mul3A_2] : memref<331776xi32, #tpu.memory_space<hbm>> -> memref<128xi32, #tpu.memory_space<hbm>>
      %dma_wait3A_73 = tpu.memref_slice %arg2[%mul3A_2] : memref<331776xi32, #tpu.memory_space<hbm>> -> memref<128xi32, #tpu.memory_space<hbm>>
      tpu.wait_dma2 semaphore(%arg19 : memref<!tpu.dma_semaphore, #tpu.memory_space<semaphore_mem>>) src(%dma_wait3A_73 : memref<128xi32, #tpu.memory_space<hbm>>) dst(%arg10 : memref<128xi32, #tpu.memory_space<vmem>>)
      %dma_wait3A_74 = tpu.memref_slice %arg3[%mul3A_2] : memref<331776xi32, #tpu.memory_space<hbm>> -> memref<128xi32, #tpu.memory_space<hbm>>
      %dma_wait3A_75 = tpu.memref_slice %arg3[%mul3A_2] : memref<331776xi32, #tpu.memory_space<hbm>> -> memref<128xi32, #tpu.memory_space<hbm>>
      tpu.wait_dma2 semaphore(%arg19 : memref<!tpu.dma_semaphore, #tpu.memory_space<semaphore_mem>>) src(%dma_wait3A_75 : memref<128xi32, #tpu.memory_space<hbm>>) dst(%arg13 : memref<128xi32, #tpu.memory_space<vmem>>)
      %dma_start3A_76 = arith.constant 0 : i32
      %dma_start3A_77 = arith.constant 0 : i32
      %dma_start3A_78 = tpu.memref_slice %arg8[%dma_start3A_76, %dma_start3A_77] : memref<10000x64xf32, #tpu.memory_space<vmem_shared>> -> memref<10000x64xf32, #tpu.memory_space<vmem_shared>>
      tpu.enqueue_indirect_dma source(%dma_start3A_78 : memref<10000x64xf32, #tpu.memory_space<vmem_shared>>) target(%arg16 : memref<128x64xf32, #tpu.memory_space<vmem>>) offsets(%arg10 : memref<128xi32, #tpu.memory_space<vmem>>) semaphore(%arg22 : memref<!tpu.dma_semaphore, #tpu.memory_space<semaphore_mem>>)
      %dma_start3A_79 = arith.constant 0 : i32
      %dma_start3A_80 = arith.constant 0 : i32
      %dma_start3A_81 = tpu.memref_slice %arg7[%dma_start3A_79, %dma_start3A_80] : memref<10008x64xf32, #tpu.memory_space<vmem_shared>> -> memref<10008x64xf32, #tpu.memory_space<vmem_shared>>
      tpu.enqueue_indirect_dma source(%arg15 : memref<128x64xf32, #tpu.memory_space<vmem>>) target(%dma_start3A_81 : memref<10008x64xf32, #tpu.memory_space<vmem_shared>>) offsets(%arg12 : memref<128xi32, #tpu.memory_space<vmem>>) semaphore(%arg24 : memref<!tpu.dma_semaphore, #tpu.memory_space<semaphore_mem>>) {add = true}
      %mul3A_82 = arith.constant 3 : i32
      %mul3A_83 = arith.muli %mul3A_82, %scan3A_55 : i32
      %add3A_84 = arith.constant 1 : i32
      %add3A_85 = arith.addi %mul3A_83, %add3A_84 : i32
      %lt3A_86 = arith.constant 26 : i32
      %lt3A_87 = arith.cmpi slt, %scan3A_55, %lt3A_86 : i32
      %convert_element_type3A_88 = arith.extui %lt3A_87 : i1 to i32
      %cond3A_89 = arith.constant 0 : i32
      %cond3A_90 = arith.cmpi ne, %convert_element_type3A_88, %cond3A_89 : i32
      scf.if %cond3A_90 {
        %dma_wait3A_134 = arith.constant 0 : i32
        %dma_wait3A_135 = arith.constant 0 : i32
        %dma_wait3A_136 = tpu.memref_slice %arg7[%dma_wait3A_134, %dma_wait3A_135] : memref<10008x64xf32, #tpu.memory_space<vmem_shared>> -> memref<10008x64xf32, #tpu.memory_space<vmem_shared>>
        tpu.wait_indirect_dma semaphore(%arg24 : memref<!tpu.dma_semaphore, #tpu.memory_space<semaphore_mem>>) src(%arg15 : memref<128x64xf32, #tpu.memory_space<vmem>>) dst(%dma_wait3A_136 : memref<10008x64xf32, #tpu.memory_space<vmem_shared>>)
        %add3A_137 = arith.constant 2 : i32
        %add3A_138 = arith.addi %add3A_85, %add3A_137 : i32
        %mul3A_139 = arith.constant 128 : i32
        %mul3A_140 = arith.muli %add3A_138, %mul3A_139 : i32
        %add3A_141 = arith.addi %mul3A_2, %mul3A_140 : i32
        %dma_start3A_142 = tpu.memref_slice %arg2[%add3A_141] : memref<331776xi32, #tpu.memory_space<hbm>> -> memref<128xi32, #tpu.memory_space<hbm>>
        %dma_start3A_143 = tpu.memref_slice %arg2[%add3A_141] : memref<331776xi32, #tpu.memory_space<hbm>> -> memref<128xi32, #tpu.memory_space<hbm>>
        tpu.enqueue_dma source(%dma_start3A_143 : memref<128xi32, #tpu.memory_space<hbm>>) target(%arg9 : memref<128xi32, #tpu.memory_space<vmem>>) target_semaphore(%arg18 : memref<!tpu.dma_semaphore, #tpu.memory_space<semaphore_mem>>)
        %dma_start3A_144 = tpu.memref_slice %arg3[%add3A_141] : memref<331776xi32, #tpu.memory_space<hbm>> -> memref<128xi32, #tpu.memory_space<hbm>>
        %dma_start3A_145 = tpu.memref_slice %arg3[%add3A_141] : memref<331776xi32, #tpu.memory_space<hbm>> -> memref<128xi32, #tpu.memory_space<hbm>>
        tpu.enqueue_dma source(%dma_start3A_145 : memref<128xi32, #tpu.memory_space<hbm>>) target(%arg12 : memref<128xi32, #tpu.memory_space<vmem>>) target_semaphore(%arg18 : memref<!tpu.dma_semaphore, #tpu.memory_space<semaphore_mem>>)
      } else {
      }
      %eq3A_91 = arith.constant 26 : i32
      %eq3A_92 = arith.cmpi eq, %scan3A_55, %eq3A_91 : i32
      %convert_element_type3A_93 = arith.extui %eq3A_92 : i1 to i32
      %cond3A_94 = arith.constant 0 : i32
      %cond3A_95 = arith.cmpi ne, %convert_element_type3A_93, %cond3A_94 : i32
      scf.if %cond3A_95 {
        %dma_wait3A_134 = arith.constant 0 : i32
        %dma_wait3A_135 = arith.constant 0 : i32
        %dma_wait3A_136 = tpu.memref_slice %arg7[%dma_wait3A_134, %dma_wait3A_135] : memref<10008x64xf32, #tpu.memory_space<vmem_shared>> -> memref<10008x64xf32, #tpu.memory_space<vmem_shared>>
        tpu.wait_indirect_dma semaphore(%arg24 : memref<!tpu.dma_semaphore, #tpu.memory_space<semaphore_mem>>) src(%arg15 : memref<128x64xf32, #tpu.memory_space<vmem>>) dst(%dma_wait3A_136 : memref<10008x64xf32, #tpu.memory_space<vmem_shared>>)
      } else {
      }
      %dma_wait3A_96 = arith.constant 0 : i32
      %dma_wait3A_97 = arith.constant 0 : i32
      %dma_wait3A_98 = tpu.memref_slice %arg8[%dma_wait3A_96, %dma_wait3A_97] : memref<10000x64xf32, #tpu.memory_space<vmem_shared>> -> memref<10000x64xf32, #tpu.memory_space<vmem_shared>>
      tpu.wait_indirect_dma semaphore(%arg22 : memref<!tpu.dma_semaphore, #tpu.memory_space<semaphore_mem>>) src(%dma_wait3A_98 : memref<10000x64xf32, #tpu.memory_space<vmem_shared>>) dst(%arg16 : memref<128x64xf32, #tpu.memory_space<vmem>>)
      %dma_wait3A_99 = tpu.memref_slice %arg2[%mul3A_2] : memref<331776xi32, #tpu.memory_space<hbm>> -> memref<128xi32, #tpu.memory_space<hbm>>
      %dma_wait3A_100 = tpu.memref_slice %arg2[%mul3A_2] : memref<331776xi32, #tpu.memory_space<hbm>> -> memref<128xi32, #tpu.memory_space<hbm>>
      tpu.wait_dma2 semaphore(%arg20 : memref<!tpu.dma_semaphore, #tpu.memory_space<semaphore_mem>>) src(%dma_wait3A_100 : memref<128xi32, #tpu.memory_space<hbm>>) dst(%arg11 : memref<128xi32, #tpu.memory_space<vmem>>)
      %dma_wait3A_101 = tpu.memref_slice %arg3[%mul3A_2] : memref<331776xi32, #tpu.memory_space<hbm>> -> memref<128xi32, #tpu.memory_space<hbm>>
      %dma_wait3A_102 = tpu.memref_slice %arg3[%mul3A_2] : memref<331776xi32, #tpu.memory_space<hbm>> -> memref<128xi32, #tpu.memory_space<hbm>>
      tpu.wait_dma2 semaphore(%arg20 : memref<!tpu.dma_semaphore, #tpu.memory_space<semaphore_mem>>) src(%dma_wait3A_102 : memref<128xi32, #tpu.memory_space<hbm>>) dst(%arg14 : memref<128xi32, #tpu.memory_space<vmem>>)
      %dma_start3A_103 = arith.constant 0 : i32
      %dma_start3A_104 = arith.constant 0 : i32
      %dma_start3A_105 = tpu.memref_slice %arg8[%dma_start3A_103, %dma_start3A_104] : memref<10000x64xf32, #tpu.memory_space<vmem_shared>> -> memref<10000x64xf32, #tpu.memory_space<vmem_shared>>
      tpu.enqueue_indirect_dma source(%dma_start3A_105 : memref<10000x64xf32, #tpu.memory_space<vmem_shared>>) target(%arg17 : memref<128x64xf32, #tpu.memory_space<vmem>>) offsets(%arg11 : memref<128xi32, #tpu.memory_space<vmem>>) semaphore(%arg23 : memref<!tpu.dma_semaphore, #tpu.memory_space<semaphore_mem>>)
      %dma_start3A_106 = arith.constant 0 : i32
      %dma_start3A_107 = arith.constant 0 : i32
      %dma_start3A_108 = tpu.memref_slice %arg7[%dma_start3A_106, %dma_start3A_107] : memref<10008x64xf32, #tpu.memory_space<vmem_shared>> -> memref<10008x64xf32, #tpu.memory_space<vmem_shared>>
      tpu.enqueue_indirect_dma source(%arg16 : memref<128x64xf32, #tpu.memory_space<vmem>>) target(%dma_start3A_108 : memref<10008x64xf32, #tpu.memory_space<vmem_shared>>) offsets(%arg13 : memref<128xi32, #tpu.memory_space<vmem>>) semaphore(%arg25 : memref<!tpu.dma_semaphore, #tpu.memory_space<semaphore_mem>>) {add = true}
      %mul3A_109 = arith.constant 3 : i32
      %mul3A_110 = arith.muli %mul3A_109, %scan3A_55 : i32
      %add3A_111 = arith.constant 2 : i32
      %add3A_112 = arith.addi %mul3A_110, %add3A_111 : i32
      %lt3A_113 = arith.constant 26 : i32
      %lt3A_114 = arith.cmpi slt, %scan3A_55, %lt3A_113 : i32
      %convert_element_type3A_115 = arith.extui %lt3A_114 : i1 to i32
      %cond3A_116 = arith.constant 0 : i32
      %cond3A_117 = arith.cmpi ne, %convert_element_type3A_115, %cond3A_116 : i32
      scf.if %cond3A_117 {
        %dma_wait3A_134 = arith.constant 0 : i32
        %dma_wait3A_135 = arith.constant 0 : i32
        %dma_wait3A_136 = tpu.memref_slice %arg7[%dma_wait3A_134, %dma_wait3A_135] : memref<10008x64xf32, #tpu.memory_space<vmem_shared>> -> memref<10008x64xf32, #tpu.memory_space<vmem_shared>>
        tpu.wait_indirect_dma semaphore(%arg25 : memref<!tpu.dma_semaphore, #tpu.memory_space<semaphore_mem>>) src(%arg16 : memref<128x64xf32, #tpu.memory_space<vmem>>) dst(%dma_wait3A_136 : memref<10008x64xf32, #tpu.memory_space<vmem_shared>>)
        %add3A_137 = arith.constant 2 : i32
        %add3A_138 = arith.addi %add3A_112, %add3A_137 : i32
        %mul3A_139 = arith.constant 128 : i32
        %mul3A_140 = arith.muli %add3A_138, %mul3A_139 : i32
        %add3A_141 = arith.addi %mul3A_2, %mul3A_140 : i32
        %dma_start3A_142 = tpu.memref_slice %arg2[%add3A_141] : memref<331776xi32, #tpu.memory_space<hbm>> -> memref<128xi32, #tpu.memory_space<hbm>>
        %dma_start3A_143 = tpu.memref_slice %arg2[%add3A_141] : memref<331776xi32, #tpu.memory_space<hbm>> -> memref<128xi32, #tpu.memory_space<hbm>>
        tpu.enqueue_dma source(%dma_start3A_143 : memref<128xi32, #tpu.memory_space<hbm>>) target(%arg10 : memref<128xi32, #tpu.memory_space<vmem>>) target_semaphore(%arg19 : memref<!tpu.dma_semaphore, #tpu.memory_space<semaphore_mem>>)
        %dma_start3A_144 = tpu.memref_slice %arg3[%add3A_141] : memref<331776xi32, #tpu.memory_space<hbm>> -> memref<128xi32, #tpu.memory_space<hbm>>
        %dma_start3A_145 = tpu.memref_slice %arg3[%add3A_141] : memref<331776xi32, #tpu.memory_space<hbm>> -> memref<128xi32, #tpu.memory_space<hbm>>
        tpu.enqueue_dma source(%dma_start3A_145 : memref<128xi32, #tpu.memory_space<hbm>>) target(%arg13 : memref<128xi32, #tpu.memory_space<vmem>>) target_semaphore(%arg19 : memref<!tpu.dma_semaphore, #tpu.memory_space<semaphore_mem>>)
      } else {
      }
      %eq3A_118 = arith.constant 26 : i32
      %eq3A_119 = arith.cmpi eq, %scan3A_55, %eq3A_118 : i32
      %convert_element_type3A_120 = arith.extui %eq3A_119 : i1 to i32
      %cond3A_121 = arith.constant 0 : i32
      %cond3A_122 = arith.cmpi ne, %convert_element_type3A_120, %cond3A_121 : i32
      scf.if %cond3A_122 {
        %dma_wait3A_134 = arith.constant 0 : i32
        %dma_wait3A_135 = arith.constant 0 : i32
        %dma_wait3A_136 = tpu.memref_slice %arg7[%dma_wait3A_134, %dma_wait3A_135] : memref<10008x64xf32, #tpu.memory_space<vmem_shared>> -> memref<10008x64xf32, #tpu.memory_space<vmem_shared>>
        tpu.wait_indirect_dma semaphore(%arg25 : memref<!tpu.dma_semaphore, #tpu.memory_space<semaphore_mem>>) src(%arg16 : memref<128x64xf32, #tpu.memory_space<vmem>>) dst(%dma_wait3A_136 : memref<10008x64xf32, #tpu.memory_space<vmem_shared>>)
      } else {
      }
      %dma_wait3A_123 = arith.constant 0 : i32
      %dma_wait3A_124 = arith.constant 0 : i32
      %dma_wait3A_125 = tpu.memref_slice %arg8[%dma_wait3A_123, %dma_wait3A_124] : memref<10000x64xf32, #tpu.memory_space<vmem_shared>> -> memref<10000x64xf32, #tpu.memory_space<vmem_shared>>
      tpu.wait_indirect_dma semaphore(%arg23 : memref<!tpu.dma_semaphore, #tpu.memory_space<semaphore_mem>>) src(%dma_wait3A_125 : memref<10000x64xf32, #tpu.memory_space<vmem_shared>>) dst(%arg17 : memref<128x64xf32, #tpu.memory_space<vmem>>)
      %lt3A_126 = arith.constant 26 : i32
      %lt3A_127 = arith.cmpi slt, %scan3A_55, %lt3A_126 : i32
      %convert_element_type3A_128 = arith.extui %lt3A_127 : i1 to i32
      %cond3A_129 = arith.constant 0 : i32
      %cond3A_130 = arith.cmpi ne, %convert_element_type3A_128, %cond3A_129 : i32
      scf.if %cond3A_130 {
        %dma_wait3A_134 = tpu.memref_slice %arg2[%mul3A_2] : memref<331776xi32, #tpu.memory_space<hbm>> -> memref<128xi32, #tpu.memory_space<hbm>>
        %dma_wait3A_135 = tpu.memref_slice %arg2[%mul3A_2] : memref<331776xi32, #tpu.memory_space<hbm>> -> memref<128xi32, #tpu.memory_space<hbm>>
        tpu.wait_dma2 semaphore(%arg18 : memref<!tpu.dma_semaphore, #tpu.memory_space<semaphore_mem>>) src(%dma_wait3A_135 : memref<128xi32, #tpu.memory_space<hbm>>) dst(%arg9 : memref<128xi32, #tpu.memory_space<vmem>>)
        %dma_wait3A_136 = tpu.memref_slice %arg3[%mul3A_2] : memref<331776xi32, #tpu.memory_space<hbm>> -> memref<128xi32, #tpu.memory_space<hbm>>
        %dma_wait3A_137 = tpu.memref_slice %arg3[%mul3A_2] : memref<331776xi32, #tpu.memory_space<hbm>> -> memref<128xi32, #tpu.memory_space<hbm>>
        tpu.wait_dma2 semaphore(%arg18 : memref<!tpu.dma_semaphore, #tpu.memory_space<semaphore_mem>>) src(%dma_wait3A_137 : memref<128xi32, #tpu.memory_space<hbm>>) dst(%arg12 : memref<128xi32, #tpu.memory_space<vmem>>)
        %dma_start3A_138 = arith.constant 0 : i32
        %dma_start3A_139 = arith.constant 0 : i32
        %dma_start3A_140 = tpu.memref_slice %arg8[%dma_start3A_138, %dma_start3A_139] : memref<10000x64xf32, #tpu.memory_space<vmem_shared>> -> memref<10000x64xf32, #tpu.memory_space<vmem_shared>>
        tpu.enqueue_indirect_dma source(%dma_start3A_140 : memref<10000x64xf32, #tpu.memory_space<vmem_shared>>) target(%arg15 : memref<128x64xf32, #tpu.memory_space<vmem>>) offsets(%arg9 : memref<128xi32, #tpu.memory_space<vmem>>) semaphore(%arg21 : memref<!tpu.dma_semaphore, #tpu.memory_space<semaphore_mem>>)
      } else {
      }
      %dma_start3A_131 = arith.constant 0 : i32
      %dma_start3A_132 = arith.constant 0 : i32
      %dma_start3A_133 = tpu.memref_slice %arg7[%dma_start3A_131, %dma_start3A_132] : memref<10008x64xf32, #tpu.memory_space<vmem_shared>> -> memref<10008x64xf32, #tpu.memory_space<vmem_shared>>
      tpu.enqueue_indirect_dma source(%arg17 : memref<128x64xf32, #tpu.memory_space<vmem>>) target(%dma_start3A_133 : memref<10008x64xf32, #tpu.memory_space<vmem_shared>>) offsets(%arg14 : memref<128xi32, #tpu.memory_space<vmem>>) semaphore(%arg26 : memref<!tpu.dma_semaphore, #tpu.memory_space<semaphore_mem>>) {add = true}
    }
    %scan3A_40 = arith.constant 27 : i32
    %dma_wait3A_41 = arith.constant 0 : i32
    %dma_wait3A_42 = arith.constant 0 : i32
    %dma_wait3A_43 = tpu.memref_slice %arg7[%dma_wait3A_41, %dma_wait3A_42] : memref<10008x64xf32, #tpu.memory_space<vmem_shared>> -> memref<10008x64xf32, #tpu.memory_space<vmem_shared>>
    tpu.wait_indirect_dma semaphore(%arg26 : memref<!tpu.dma_semaphore, #tpu.memory_space<semaphore_mem>>) src(%arg17 : memref<128x64xf32, #tpu.memory_space<vmem>>) dst(%dma_wait3A_43 : memref<10008x64xf32, #tpu.memory_space<vmem_shared>>)
    %barrier3A_44 = arith.constant 0 : index
    tpu.barrier barrier_id(%barrier3A_44)
    %lt3A_45 = arith.constant 15 : i32
    %lt3A_46 = arith.cmpi slt, %arg1, %lt3A_45 : i32
    %convert_element_type3A_47 = arith.extui %lt3A_46 : i1 to i32
    %cond3A_48 = arith.constant 0 : i32
    %cond3A_49 = arith.cmpi ne, %convert_element_type3A_47, %cond3A_48 : i32
    scf.if %cond3A_49 {
      %mul3A_55 = arith.constant 624 : i32
      %mul3A_56 = arith.muli %arg1, %mul3A_55 : i32
      %mul3A_57 = arith.constant 624 : i32
      %mul3A_58 = arith.muli %arg1, %mul3A_57 : i32
      "tpu.region"() ({
        %run_scoped3A = tpu.sem_alloc : memref<!tpu.dma_semaphore, #tpu.memory_space<semaphore_mem>>
        %dma_start3A_59 = arith.constant 0 : i32
        %dma_start3A_60 = tpu.memref_slice %arg6[%arg0, %mul3A_58, %dma_start3A_59] : memref<2x10000x64xf32, #tpu.memory_space<hbm>> -> memref<1x624x64xf32, #tpu.memory_space<hbm>>
        %dma_start3A_61 = tpu.memref_squeeze %dma_start3A_60 : memref<1x624x64xf32, #tpu.memory_space<hbm>> -> memref<624x64xf32, #tpu.memory_space<hbm>>
        %dma_start3A_62 = arith.constant 0 : i32
        %dma_start3A_63 = tpu.memref_slice %arg7[%mul3A_56, %dma_start3A_62] : memref<10008x64xf32, #tpu.memory_space<vmem_shared>> -> memref<624x64xf32, #tpu.memory_space<vmem_shared>>
        tpu.enqueue_dma source(%dma_start3A_63 : memref<624x64xf32, #tpu.memory_space<vmem_shared>>) target(%dma_start3A_61 : memref<624x64xf32, #tpu.memory_space<hbm>>) target_semaphore(%run_scoped3A : memref<!tpu.dma_semaphore, #tpu.memory_space<semaphore_mem>>)
        %dma_wait3A_64 = arith.constant 0 : i32
        %dma_wait3A_65 = tpu.memref_slice %arg6[%arg0, %mul3A_58, %dma_wait3A_64] : memref<2x10000x64xf32, #tpu.memory_space<hbm>> -> memref<1x624x64xf32, #tpu.memory_space<hbm>>
        %dma_wait3A_66 = tpu.memref_squeeze %dma_wait3A_65 : memref<1x624x64xf32, #tpu.memory_space<hbm>> -> memref<624x64xf32, #tpu.memory_space<hbm>>
        %dma_wait3A_67 = arith.constant 0 : i32
        %dma_wait3A_68 = tpu.memref_slice %arg7[%mul3A_56, %dma_wait3A_67] : memref<10008x64xf32, #tpu.memory_space<vmem_shared>> -> memref<624x64xf32, #tpu.memory_space<vmem_shared>>
        tpu.wait_dma2 semaphore(%run_scoped3A : memref<!tpu.dma_semaphore, #tpu.memory_space<semaphore_mem>>) src(%dma_wait3A_68 : memref<624x64xf32, #tpu.memory_space<vmem_shared>>) dst(%dma_wait3A_66 : memref<624x64xf32, #tpu.memory_space<hbm>>)
        tpu.yield
      }) : () -> ()
    } else {
    }
    %eq3A_50 = arith.constant 15 : i32
    %eq3A_51 = arith.cmpi eq, %arg1, %eq3A_50 : i32
    %convert_element_type3A_52 = arith.extui %eq3A_51 : i1 to i32
    %cond3A_53 = arith.constant 0 : i32
    %cond3A_54 = arith.cmpi ne, %convert_element_type3A_52, %cond3A_53 : i32
    scf.if %cond3A_54 {
      "tpu.region"() ({
        %run_scoped3A = tpu.sem_alloc : memref<!tpu.dma_semaphore, #tpu.memory_space<semaphore_mem>>
        %dma_start3A_55 = arith.constant 9360 : i32
        %dma_start3A_56 = arith.constant 0 : i32
        %dma_start3A_57 = tpu.memref_slice %arg6[%arg0, %dma_start3A_55, %dma_start3A_56] : memref<2x10000x64xf32, #tpu.memory_space<hbm>> -> memref<1x640x64xf32, #tpu.memory_space<hbm>>
        %dma_start3A_58 = tpu.memref_squeeze %dma_start3A_57 : memref<1x640x64xf32, #tpu.memory_space<hbm>> -> memref<640x64xf32, #tpu.memory_space<hbm>>
        %dma_start3A_59 = arith.constant 9360 : i32
        %dma_start3A_60 = arith.constant 0 : i32
        %dma_start3A_61 = tpu.memref_slice %arg7[%dma_start3A_59, %dma_start3A_60] : memref<10008x64xf32, #tpu.memory_space<vmem_shared>> -> memref<640x64xf32, #tpu.memory_space<vmem_shared>>
        tpu.enqueue_dma source(%dma_start3A_61 : memref<640x64xf32, #tpu.memory_space<vmem_shared>>) target(%dma_start3A_58 : memref<640x64xf32, #tpu.memory_space<hbm>>) target_semaphore(%run_scoped3A : memref<!tpu.dma_semaphore, #tpu.memory_space<semaphore_mem>>)
        %dma_wait3A_62 = arith.constant 9360 : i32
        %dma_wait3A_63 = arith.constant 0 : i32
        %dma_wait3A_64 = tpu.memref_slice %arg6[%arg0, %dma_wait3A_62, %dma_wait3A_63] : memref<2x10000x64xf32, #tpu.memory_space<hbm>> -> memref<1x640x64xf32, #tpu.memory_space<hbm>>
        %dma_wait3A_65 = tpu.memref_squeeze %dma_wait3A_64 : memref<1x640x64xf32, #tpu.memory_space<hbm>> -> memref<640x64xf32, #tpu.memory_space<hbm>>
        %dma_wait3A_66 = arith.constant 9360 : i32
        %dma_wait3A_67 = arith.constant 0 : i32
        %dma_wait3A_68 = tpu.memref_slice %arg7[%dma_wait3A_66, %dma_wait3A_67] : memref<10008x64xf32, #tpu.memory_space<vmem_shared>> -> memref<640x64xf32, #tpu.memory_space<vmem_shared>>
        tpu.wait_dma2 semaphore(%run_scoped3A : memref<!tpu.dma_semaphore, #tpu.memory_space<semaphore_mem>>) src(%dma_wait3A_68 : memref<640x64xf32, #tpu.memory_space<vmem_shared>>) dst(%dma_wait3A_65 : memref<640x64xf32, #tpu.memory_space<hbm>>)
        tpu.yield
      }) : () -> ()
    } else {
    }
    return
  }
}

#map = affine_map<(d0, d1) -> (0)>
#map1 = affine_map<(d0, d1) -> (0, 0)>
#map2 = affine_map<(d0, d1) -> (0, 0, 0)>
module attributes {stable_mosaic.version = 14 : i64} {
  func.func @_deg_body(%arg0: i32, %arg1: i32, %arg2: memref<320000xi32, #tpu.memory_space<hbm>>, %arg3: memref<640x1xf32, #tpu.memory_space<hbm>>, %arg4: memref<128x1xf32, #tpu.memory_space<hbm>>, %arg5: memref<2x10000x1xf32, #tpu.memory_space<hbm>>, %arg6: memref<10000x1xf32, #tpu.memory_space<vmem_shared>>, %arg7: memref<128xi32, #tpu.memory_space<vmem>>, %arg8: memref<128xi32, #tpu.memory_space<vmem>>, %arg9: memref<16xi32, #tpu.memory_space<vmem>>, %arg10: memref<128x1xf32, #tpu.memory_space<vmem>>, %arg11: memref<16x1xf32, #tpu.memory_space<vmem>>, %arg12: memref<!tpu.dma_semaphore, #tpu.memory_space<semaphore_mem>>, %arg13: memref<!tpu.dma_semaphore, #tpu.memory_space<semaphore_mem>>, %arg14: memref<!tpu.dma_semaphore, #tpu.memory_space<semaphore_mem>>, %arg15: memref<!tpu.dma_semaphore, #tpu.memory_space<semaphore_mem>>) attributes {dimension_semantics = [#tpu.dimension_semantics<core_parallel>, #tpu.dimension_semantics<subcore_parallel>], iteration_bounds = array<i64: 2, 16>, scalar_prefetch = 0 : i64, scratch_operands = 10 : i64, tpu.core_type = #tpu.core_type<sc_vector_subcore>, window_params = [{transform_indices = #map}, {transform_indices = #map1}, {transform_indices = #map1}, {transform_indices = #map2}]} {
    %mul3A = arith.constant 16 : i32
    %mul3A_0 = arith.muli %arg0, %mul3A : i32
    %add3A = arith.addi %mul3A_0, %arg1 : i32
    %mul3A_1 = arith.constant 10000 : i32
    %mul3A_2 = arith.muli %add3A, %mul3A_1 : i32
    %lt3A = arith.constant 15 : i32
    %lt3A_3 = arith.cmpi slt, %arg1, %lt3A : i32
    %convert_element_type3A = arith.extui %lt3A_3 : i1 to i32
    %cond3A = arith.constant 0 : i32
    %cond3A_4 = arith.cmpi ne, %convert_element_type3A, %cond3A : i32
    scf.if %cond3A_4 {
      %mul3A_33 = arith.constant 624 : i32
      %mul3A_34 = arith.muli %arg1, %mul3A_33 : i32
      "tpu.region"() ({
        %run_scoped3A = tpu.sem_alloc : memref<!tpu.dma_semaphore, #tpu.memory_space<semaphore_mem>>
        %dma_start3A_35 = arith.constant 0 : i32
        %dma_start3A_36 = tpu.memref_slice %arg6[%mul3A_34, %dma_start3A_35] : memref<10000x1xf32, #tpu.memory_space<vmem_shared>> -> memref<624x1xf32, #tpu.memory_space<vmem_shared>>
        %dma_start3A_37 = arith.constant 0 : i32
        %dma_start3A_38 = arith.constant 0 : i32
        %dma_start3A_39 = tpu.memref_slice %arg3[%dma_start3A_37, %dma_start3A_38] : memref<640x1xf32, #tpu.memory_space<hbm>> -> memref<624x1xf32, #tpu.memory_space<hbm>>
        tpu.enqueue_dma source(%dma_start3A_39 : memref<624x1xf32, #tpu.memory_space<hbm>>) target(%dma_start3A_36 : memref<624x1xf32, #tpu.memory_space<vmem_shared>>) target_semaphore(%run_scoped3A : memref<!tpu.dma_semaphore, #tpu.memory_space<semaphore_mem>>)
        %dma_wait3A_40 = arith.constant 0 : i32
        %dma_wait3A_41 = tpu.memref_slice %arg6[%mul3A_34, %dma_wait3A_40] : memref<10000x1xf32, #tpu.memory_space<vmem_shared>> -> memref<624x1xf32, #tpu.memory_space<vmem_shared>>
        %dma_wait3A_42 = arith.constant 0 : i32
        %dma_wait3A_43 = arith.constant 0 : i32
        %dma_wait3A_44 = tpu.memref_slice %arg3[%dma_wait3A_42, %dma_wait3A_43] : memref<640x1xf32, #tpu.memory_space<hbm>> -> memref<624x1xf32, #tpu.memory_space<hbm>>
        tpu.wait_dma2 semaphore(%run_scoped3A : memref<!tpu.dma_semaphore, #tpu.memory_space<semaphore_mem>>) src(%dma_wait3A_44 : memref<624x1xf32, #tpu.memory_space<hbm>>) dst(%dma_wait3A_41 : memref<624x1xf32, #tpu.memory_space<vmem_shared>>)
        tpu.yield
      }) : () -> ()
    } else {
    }
    %eq3A = arith.constant 15 : i32
    %eq3A_5 = arith.cmpi eq, %arg1, %eq3A : i32
    %convert_element_type3A_6 = arith.extui %eq3A_5 : i1 to i32
    %cond3A_7 = arith.constant 0 : i32
    %cond3A_8 = arith.cmpi ne, %convert_element_type3A_6, %cond3A_7 : i32
    scf.if %cond3A_8 {
      "tpu.region"() ({
        %run_scoped3A = tpu.sem_alloc : memref<!tpu.dma_semaphore, #tpu.memory_space<semaphore_mem>>
        %dma_start3A_33 = arith.constant 9360 : i32
        %dma_start3A_34 = arith.constant 0 : i32
        %dma_start3A_35 = tpu.memref_slice %arg6[%dma_start3A_33, %dma_start3A_34] : memref<10000x1xf32, #tpu.memory_space<vmem_shared>> -> memref<640x1xf32, #tpu.memory_space<vmem_shared>>
        tpu.enqueue_dma source(%arg3 : memref<640x1xf32, #tpu.memory_space<hbm>>) target(%dma_start3A_35 : memref<640x1xf32, #tpu.memory_space<vmem_shared>>) target_semaphore(%run_scoped3A : memref<!tpu.dma_semaphore, #tpu.memory_space<semaphore_mem>>)
        %dma_wait3A_36 = arith.constant 9360 : i32
        %dma_wait3A_37 = arith.constant 0 : i32
        %dma_wait3A_38 = tpu.memref_slice %arg6[%dma_wait3A_36, %dma_wait3A_37] : memref<10000x1xf32, #tpu.memory_space<vmem_shared>> -> memref<640x1xf32, #tpu.memory_space<vmem_shared>>
        tpu.wait_dma2 semaphore(%run_scoped3A : memref<!tpu.dma_semaphore, #tpu.memory_space<semaphore_mem>>) src(%arg3 : memref<640x1xf32, #tpu.memory_space<hbm>>) dst(%dma_wait3A_38 : memref<640x1xf32, #tpu.memory_space<vmem_shared>>)
        tpu.yield
      }) : () -> ()
    } else {
    }
    "tpu.region"() ({
      %run_scoped3A = tpu.sem_alloc : memref<!tpu.dma_semaphore, #tpu.memory_space<semaphore_mem>>
      tpu.enqueue_dma source(%arg4 : memref<128x1xf32, #tpu.memory_space<hbm>>) target(%arg10 : memref<128x1xf32, #tpu.memory_space<vmem>>) target_semaphore(%run_scoped3A : memref<!tpu.dma_semaphore, #tpu.memory_space<semaphore_mem>>)
      tpu.wait_dma2 semaphore(%run_scoped3A : memref<!tpu.dma_semaphore, #tpu.memory_space<semaphore_mem>>) src(%arg4 : memref<128x1xf32, #tpu.memory_space<hbm>>) dst(%arg10 : memref<128x1xf32, #tpu.memory_space<vmem>>)
      tpu.yield
    }) : () -> ()
    "tpu.region"() ({
      %run_scoped3A = tpu.sem_alloc : memref<!tpu.dma_semaphore, #tpu.memory_space<semaphore_mem>>
      %dma_start3A_33 = arith.constant 0 : i32
      %dma_start3A_34 = arith.constant 0 : i32
      %dma_start3A_35 = tpu.memref_slice %arg4[%dma_start3A_33, %dma_start3A_34] : memref<128x1xf32, #tpu.memory_space<hbm>> -> memref<16x1xf32, #tpu.memory_space<hbm>>
      %dma_start3A_36 = arith.constant 0 : i32
      %dma_start3A_37 = arith.constant 0 : i32
      %dma_start3A_38 = tpu.memref_slice %arg4[%dma_start3A_36, %dma_start3A_37] : memref<128x1xf32, #tpu.memory_space<hbm>> -> memref<16x1xf32, #tpu.memory_space<hbm>>
      tpu.enqueue_dma source(%dma_start3A_38 : memref<16x1xf32, #tpu.memory_space<hbm>>) target(%arg11 : memref<16x1xf32, #tpu.memory_space<vmem>>) target_semaphore(%run_scoped3A : memref<!tpu.dma_semaphore, #tpu.memory_space<semaphore_mem>>)
      %dma_wait3A_39 = arith.constant 0 : i32
      %dma_wait3A_40 = arith.constant 0 : i32
      %dma_wait3A_41 = tpu.memref_slice %arg4[%dma_wait3A_39, %dma_wait3A_40] : memref<128x1xf32, #tpu.memory_space<hbm>> -> memref<16x1xf32, #tpu.memory_space<hbm>>
      %dma_wait3A_42 = arith.constant 0 : i32
      %dma_wait3A_43 = arith.constant 0 : i32
      %dma_wait3A_44 = tpu.memref_slice %arg4[%dma_wait3A_42, %dma_wait3A_43] : memref<128x1xf32, #tpu.memory_space<hbm>> -> memref<16x1xf32, #tpu.memory_space<hbm>>
      tpu.wait_dma2 semaphore(%run_scoped3A : memref<!tpu.dma_semaphore, #tpu.memory_space<semaphore_mem>>) src(%dma_wait3A_44 : memref<16x1xf32, #tpu.memory_space<hbm>>) dst(%arg11 : memref<16x1xf32, #tpu.memory_space<vmem>>)
      tpu.yield
    }) : () -> ()
    %barrier3A = arith.constant 0 : index
    tpu.barrier barrier_id(%barrier3A)
    %dma_start3A = tpu.memref_slice %arg2[%mul3A_2] : memref<320000xi32, #tpu.memory_space<hbm>> -> memref<128xi32, #tpu.memory_space<hbm>>
    %dma_start3A_9 = tpu.memref_slice %arg2[%mul3A_2] : memref<320000xi32, #tpu.memory_space<hbm>> -> memref<128xi32, #tpu.memory_space<hbm>>
    tpu.enqueue_dma source(%dma_start3A_9 : memref<128xi32, #tpu.memory_space<hbm>>) target(%arg7 : memref<128xi32, #tpu.memory_space<vmem>>) target_semaphore(%arg12 : memref<!tpu.dma_semaphore, #tpu.memory_space<semaphore_mem>>)
    %scan3A = arith.constant 0 : i32
    %scan3A_10 = arith.constant 0 : i32
    %scan3A_11 = arith.constant 39 : i32
    %scan3A_12 = arith.addi %scan3A_10, %scan3A_11 : i32
    %scan3A_13 = arith.constant 1 : i32
    scf.for %scan3A_33 = %scan3A_10 to %scan3A_12 step %scan3A_13  : i32 {
      %mul3A_34 = arith.constant 2 : i32
      %mul3A_35 = arith.muli %mul3A_34, %scan3A_33 : i32
      %add3A_36 = arith.constant 0 : i32
      %add3A_37 = arith.addi %mul3A_35, %add3A_36 : i32
      %ge3A = arith.constant 1 : i32
      %ge3A_38 = arith.cmpi sge, %scan3A_33, %ge3A : i32
      %convert_element_type3A_39 = arith.extui %ge3A_38 : i1 to i32
      %cond3A_40 = arith.constant 0 : i32
      %cond3A_41 = arith.cmpi ne, %convert_element_type3A_39, %cond3A_40 : i32
      scf.if %cond3A_41 {
        %dma_wait3A_66 = arith.constant 0 : i32
        %dma_wait3A_67 = arith.constant 0 : i32
        %dma_wait3A_68 = tpu.memref_slice %arg6[%dma_wait3A_66, %dma_wait3A_67] : memref<10000x1xf32, #tpu.memory_space<vmem_shared>> -> memref<10000x1xf32, #tpu.memory_space<vmem_shared>>
        tpu.wait_indirect_dma semaphore(%arg15 : memref<!tpu.dma_semaphore, #tpu.memory_space<semaphore_mem>>) src(%arg10 : memref<128x1xf32, #tpu.memory_space<vmem>>) dst(%dma_wait3A_68 : memref<10000x1xf32, #tpu.memory_space<vmem_shared>>)
        %add3A_69 = arith.constant 1 : i32
        %add3A_70 = arith.addi %add3A_37, %add3A_69 : i32
        %mul3A_71 = arith.constant 128 : i32
        %mul3A_72 = arith.muli %add3A_70, %mul3A_71 : i32
        %add3A_73 = arith.addi %mul3A_2, %mul3A_72 : i32
        %dma_start3A_74 = tpu.memref_slice %arg2[%add3A_73] : memref<320000xi32, #tpu.memory_space<hbm>> -> memref<128xi32, #tpu.memory_space<hbm>>
        %dma_start3A_75 = tpu.memref_slice %arg2[%add3A_73] : memref<320000xi32, #tpu.memory_space<hbm>> -> memref<128xi32, #tpu.memory_space<hbm>>
        tpu.enqueue_dma source(%dma_start3A_75 : memref<128xi32, #tpu.memory_space<hbm>>) target(%arg8 : memref<128xi32, #tpu.memory_space<vmem>>) target_semaphore(%arg13 : memref<!tpu.dma_semaphore, #tpu.memory_space<semaphore_mem>>)
      } else {
      }
      %eq3A_42 = arith.constant 0 : i32
      %eq3A_43 = arith.cmpi eq, %scan3A_33, %eq3A_42 : i32
      %convert_element_type3A_44 = arith.extui %eq3A_43 : i1 to i32
      %cond3A_45 = arith.constant 0 : i32
      %cond3A_46 = arith.cmpi ne, %convert_element_type3A_44, %cond3A_45 : i32
      scf.if %cond3A_46 {
        %add3A_66 = arith.constant 128 : i32
        %add3A_67 = arith.addi %mul3A_2, %add3A_66 : i32
        %dma_start3A_68 = tpu.memref_slice %arg2[%add3A_67] : memref<320000xi32, #tpu.memory_space<hbm>> -> memref<128xi32, #tpu.memory_space<hbm>>
        %dma_start3A_69 = tpu.memref_slice %arg2[%add3A_67] : memref<320000xi32, #tpu.memory_space<hbm>> -> memref<128xi32, #tpu.memory_space<hbm>>
        tpu.enqueue_dma source(%dma_start3A_69 : memref<128xi32, #tpu.memory_space<hbm>>) target(%arg8 : memref<128xi32, #tpu.memory_space<vmem>>) target_semaphore(%arg13 : memref<!tpu.dma_semaphore, #tpu.memory_space<semaphore_mem>>)
      } else {
      }
      %dma_wait3A_47 = tpu.memref_slice %arg2[%mul3A_2] : memref<320000xi32, #tpu.memory_space<hbm>> -> memref<128xi32, #tpu.memory_space<hbm>>
      %dma_wait3A_48 = tpu.memref_slice %arg2[%mul3A_2] : memref<320000xi32, #tpu.memory_space<hbm>> -> memref<128xi32, #tpu.memory_space<hbm>>
      tpu.wait_dma2 semaphore(%arg12 : memref<!tpu.dma_semaphore, #tpu.memory_space<semaphore_mem>>) src(%dma_wait3A_48 : memref<128xi32, #tpu.memory_space<hbm>>) dst(%arg7 : memref<128xi32, #tpu.memory_space<vmem>>)
      %dma_start3A_49 = arith.constant 0 : i32
      %dma_start3A_50 = arith.constant 0 : i32
      %dma_start3A_51 = tpu.memref_slice %arg6[%dma_start3A_49, %dma_start3A_50] : memref<10000x1xf32, #tpu.memory_space<vmem_shared>> -> memref<10000x1xf32, #tpu.memory_space<vmem_shared>>
      tpu.enqueue_indirect_dma source(%arg10 : memref<128x1xf32, #tpu.memory_space<vmem>>) target(%dma_start3A_51 : memref<10000x1xf32, #tpu.memory_space<vmem_shared>>) offsets(%arg7 : memref<128xi32, #tpu.memory_space<vmem>>) semaphore(%arg14 : memref<!tpu.dma_semaphore, #tpu.memory_space<semaphore_mem>>) {add = true}
      %mul3A_52 = arith.constant 2 : i32
      %mul3A_53 = arith.muli %mul3A_52, %scan3A_33 : i32
      %add3A_54 = arith.constant 1 : i32
      %add3A_55 = arith.addi %mul3A_53, %add3A_54 : i32
      %lt3A_56 = arith.constant 38 : i32
      %lt3A_57 = arith.cmpi slt, %scan3A_33, %lt3A_56 : i32
      %convert_element_type3A_58 = arith.extui %lt3A_57 : i1 to i32
      %cond3A_59 = arith.constant 0 : i32
      %cond3A_60 = arith.cmpi ne, %convert_element_type3A_58, %cond3A_59 : i32
      scf.if %cond3A_60 {
        %dma_wait3A_66 = arith.constant 0 : i32
        %dma_wait3A_67 = arith.constant 0 : i32
        %dma_wait3A_68 = tpu.memref_slice %arg6[%dma_wait3A_66, %dma_wait3A_67] : memref<10000x1xf32, #tpu.memory_space<vmem_shared>> -> memref<10000x1xf32, #tpu.memory_space<vmem_shared>>
        tpu.wait_indirect_dma semaphore(%arg14 : memref<!tpu.dma_semaphore, #tpu.memory_space<semaphore_mem>>) src(%arg10 : memref<128x1xf32, #tpu.memory_space<vmem>>) dst(%dma_wait3A_68 : memref<10000x1xf32, #tpu.memory_space<vmem_shared>>)
        %add3A_69 = arith.constant 1 : i32
        %add3A_70 = arith.addi %add3A_55, %add3A_69 : i32
        %mul3A_71 = arith.constant 128 : i32
        %mul3A_72 = arith.muli %add3A_70, %mul3A_71 : i32
        %add3A_73 = arith.addi %mul3A_2, %mul3A_72 : i32
        %dma_start3A_74 = tpu.memref_slice %arg2[%add3A_73] : memref<320000xi32, #tpu.memory_space<hbm>> -> memref<128xi32, #tpu.memory_space<hbm>>
        %dma_start3A_75 = tpu.memref_slice %arg2[%add3A_73] : memref<320000xi32, #tpu.memory_space<hbm>> -> memref<128xi32, #tpu.memory_space<hbm>>
        tpu.enqueue_dma source(%dma_start3A_75 : memref<128xi32, #tpu.memory_space<hbm>>) target(%arg7 : memref<128xi32, #tpu.memory_space<vmem>>) target_semaphore(%arg12 : memref<!tpu.dma_semaphore, #tpu.memory_space<semaphore_mem>>)
      } else {
      }
      %dma_wait3A_61 = tpu.memref_slice %arg2[%mul3A_2] : memref<320000xi32, #tpu.memory_space<hbm>> -> memref<128xi32, #tpu.memory_space<hbm>>
      %dma_wait3A_62 = tpu.memref_slice %arg2[%mul3A_2] : memref<320000xi32, #tpu.memory_space<hbm>> -> memref<128xi32, #tpu.memory_space<hbm>>
      tpu.wait_dma2 semaphore(%arg13 : memref<!tpu.dma_semaphore, #tpu.memory_space<semaphore_mem>>) src(%dma_wait3A_62 : memref<128xi32, #tpu.memory_space<hbm>>) dst(%arg8 : memref<128xi32, #tpu.memory_space<vmem>>)
      %dma_start3A_63 = arith.constant 0 : i32
      %dma_start3A_64 = arith.constant 0 : i32
      %dma_start3A_65 = tpu.memref_slice %arg6[%dma_start3A_63, %dma_start3A_64] : memref<10000x1xf32, #tpu.memory_space<vmem_shared>> -> memref<10000x1xf32, #tpu.memory_space<vmem_shared>>
      tpu.enqueue_indirect_dma source(%arg10 : memref<128x1xf32, #tpu.memory_space<vmem>>) target(%dma_start3A_65 : memref<10000x1xf32, #tpu.memory_space<vmem_shared>>) offsets(%arg8 : memref<128xi32, #tpu.memory_space<vmem>>) semaphore(%arg15 : memref<!tpu.dma_semaphore, #tpu.memory_space<semaphore_mem>>) {add = true}
    }
    %scan3A_14 = arith.constant 39 : i32
    %dma_wait3A = arith.constant 0 : i32
    %dma_wait3A_15 = arith.constant 0 : i32
    %dma_wait3A_16 = tpu.memref_slice %arg6[%dma_wait3A, %dma_wait3A_15] : memref<10000x1xf32, #tpu.memory_space<vmem_shared>> -> memref<10000x1xf32, #tpu.memory_space<vmem_shared>>
    tpu.wait_indirect_dma semaphore(%arg14 : memref<!tpu.dma_semaphore, #tpu.memory_space<semaphore_mem>>) src(%arg10 : memref<128x1xf32, #tpu.memory_space<vmem>>) dst(%dma_wait3A_16 : memref<10000x1xf32, #tpu.memory_space<vmem_shared>>)
    %dma_wait3A_17 = arith.constant 0 : i32
    %dma_wait3A_18 = arith.constant 0 : i32
    %dma_wait3A_19 = tpu.memref_slice %arg6[%dma_wait3A_17, %dma_wait3A_18] : memref<10000x1xf32, #tpu.memory_space<vmem_shared>> -> memref<10000x1xf32, #tpu.memory_space<vmem_shared>>
    tpu.wait_indirect_dma semaphore(%arg15 : memref<!tpu.dma_semaphore, #tpu.memory_space<semaphore_mem>>) src(%arg10 : memref<128x1xf32, #tpu.memory_space<vmem>>) dst(%dma_wait3A_19 : memref<10000x1xf32, #tpu.memory_space<vmem_shared>>)
    %add3A_20 = arith.constant 9984 : i32
    %add3A_21 = arith.addi %mul3A_2, %add3A_20 : i32
    "tpu.region"() ({
      %run_scoped3A = tpu.sem_alloc : memref<!tpu.dma_semaphore, #tpu.memory_space<semaphore_mem>>
      %dma_start3A_33 = tpu.memref_slice %arg2[%add3A_21] : memref<320000xi32, #tpu.memory_space<hbm>> -> memref<16xi32, #tpu.memory_space<hbm>>
      %dma_start3A_34 = tpu.memref_slice %arg2[%add3A_21] : memref<320000xi32, #tpu.memory_space<hbm>> -> memref<16xi32, #tpu.memory_space<hbm>>
      tpu.enqueue_dma source(%dma_start3A_34 : memref<16xi32, #tpu.memory_space<hbm>>) target(%arg9 : memref<16xi32, #tpu.memory_space<vmem>>) target_semaphore(%run_scoped3A : memref<!tpu.dma_semaphore, #tpu.memory_space<semaphore_mem>>)
      %dma_wait3A_35 = tpu.memref_slice %arg2[%add3A_21] : memref<320000xi32, #tpu.memory_space<hbm>> -> memref<16xi32, #tpu.memory_space<hbm>>
      %dma_wait3A_36 = tpu.memref_slice %arg2[%add3A_21] : memref<320000xi32, #tpu.memory_space<hbm>> -> memref<16xi32, #tpu.memory_space<hbm>>
      tpu.wait_dma2 semaphore(%run_scoped3A : memref<!tpu.dma_semaphore, #tpu.memory_space<semaphore_mem>>) src(%dma_wait3A_36 : memref<16xi32, #tpu.memory_space<hbm>>) dst(%arg9 : memref<16xi32, #tpu.memory_space<vmem>>)
      tpu.yield
    }) : () -> ()
    "tpu.region"() ({
      %run_scoped3A = tpu.sem_alloc : memref<!tpu.dma_semaphore, #tpu.memory_space<semaphore_mem>>
      %dma_start3A_33 = arith.constant 0 : i32
      %dma_start3A_34 = arith.constant 0 : i32
      %dma_start3A_35 = tpu.memref_slice %arg6[%dma_start3A_33, %dma_start3A_34] : memref<10000x1xf32, #tpu.memory_space<vmem_shared>> -> memref<10000x1xf32, #tpu.memory_space<vmem_shared>>
      tpu.enqueue_indirect_dma source(%arg11 : memref<16x1xf32, #tpu.memory_space<vmem>>) target(%dma_start3A_35 : memref<10000x1xf32, #tpu.memory_space<vmem_shared>>) offsets(%arg9 : memref<16xi32, #tpu.memory_space<vmem>>) semaphore(%run_scoped3A : memref<!tpu.dma_semaphore, #tpu.memory_space<semaphore_mem>>) {add = true}
      %dma_wait3A_36 = arith.constant 0 : i32
      %dma_wait3A_37 = arith.constant 0 : i32
      %dma_wait3A_38 = tpu.memref_slice %arg6[%dma_wait3A_36, %dma_wait3A_37] : memref<10000x1xf32, #tpu.memory_space<vmem_shared>> -> memref<10000x1xf32, #tpu.memory_space<vmem_shared>>
      tpu.wait_indirect_dma semaphore(%run_scoped3A : memref<!tpu.dma_semaphore, #tpu.memory_space<semaphore_mem>>) src(%arg11 : memref<16x1xf32, #tpu.memory_space<vmem>>) dst(%dma_wait3A_38 : memref<10000x1xf32, #tpu.memory_space<vmem_shared>>)
      tpu.yield
    }) : () -> ()
    %barrier3A_22 = arith.constant 0 : index
    tpu.barrier barrier_id(%barrier3A_22)
    %lt3A_23 = arith.constant 15 : i32
    %lt3A_24 = arith.cmpi slt, %arg1, %lt3A_23 : i32
    %convert_element_type3A_25 = arith.extui %lt3A_24 : i1 to i32
    %cond3A_26 = arith.constant 0 : i32
    %cond3A_27 = arith.cmpi ne, %convert_element_type3A_25, %cond3A_26 : i32
    scf.if %cond3A_27 {
      %mul3A_33 = arith.constant 624 : i32
      %mul3A_34 = arith.muli %arg1, %mul3A_33 : i32
      %mul3A_35 = arith.constant 624 : i32
      %mul3A_36 = arith.muli %arg1, %mul3A_35 : i32
      "tpu.region"() ({
        %run_scoped3A = tpu.sem_alloc : memref<!tpu.dma_semaphore, #tpu.memory_space<semaphore_mem>>
        %dma_start3A_37 = arith.constant 0 : i32
        %dma_start3A_38 = tpu.memref_slice %arg5[%arg0, %mul3A_36, %dma_start3A_37] : memref<2x10000x1xf32, #tpu.memory_space<hbm>> -> memref<1x624x1xf32, #tpu.memory_space<hbm>>
        %dma_start3A_39 = tpu.memref_squeeze %dma_start3A_38 : memref<1x624x1xf32, #tpu.memory_space<hbm>> -> memref<624x1xf32, #tpu.memory_space<hbm>>
        %dma_start3A_40 = arith.constant 0 : i32
        %dma_start3A_41 = tpu.memref_slice %arg6[%mul3A_34, %dma_start3A_40] : memref<10000x1xf32, #tpu.memory_space<vmem_shared>> -> memref<624x1xf32, #tpu.memory_space<vmem_shared>>
        tpu.enqueue_dma source(%dma_start3A_41 : memref<624x1xf32, #tpu.memory_space<vmem_shared>>) target(%dma_start3A_39 : memref<624x1xf32, #tpu.memory_space<hbm>>) target_semaphore(%run_scoped3A : memref<!tpu.dma_semaphore, #tpu.memory_space<semaphore_mem>>)
        %dma_wait3A_42 = arith.constant 0 : i32
        %dma_wait3A_43 = tpu.memref_slice %arg5[%arg0, %mul3A_36, %dma_wait3A_42] : memref<2x10000x1xf32, #tpu.memory_space<hbm>> -> memref<1x624x1xf32, #tpu.memory_space<hbm>>
        %dma_wait3A_44 = tpu.memref_squeeze %dma_wait3A_43 : memref<1x624x1xf32, #tpu.memory_space<hbm>> -> memref<624x1xf32, #tpu.memory_space<hbm>>
        %dma_wait3A_45 = arith.constant 0 : i32
        %dma_wait3A_46 = tpu.memref_slice %arg6[%mul3A_34, %dma_wait3A_45] : memref<10000x1xf32, #tpu.memory_space<vmem_shared>> -> memref<624x1xf32, #tpu.memory_space<vmem_shared>>
        tpu.wait_dma2 semaphore(%run_scoped3A : memref<!tpu.dma_semaphore, #tpu.memory_space<semaphore_mem>>) src(%dma_wait3A_46 : memref<624x1xf32, #tpu.memory_space<vmem_shared>>) dst(%dma_wait3A_44 : memref<624x1xf32, #tpu.memory_space<hbm>>)
        tpu.yield
      }) : () -> ()
    } else {
    }
    %eq3A_28 = arith.constant 15 : i32
    %eq3A_29 = arith.cmpi eq, %arg1, %eq3A_28 : i32
    %convert_element_type3A_30 = arith.extui %eq3A_29 : i1 to i32
    %cond3A_31 = arith.constant 0 : i32
    %cond3A_32 = arith.cmpi ne, %convert_element_type3A_30, %cond3A_31 : i32
    scf.if %cond3A_32 {
      "tpu.region"() ({
        %run_scoped3A = tpu.sem_alloc : memref<!tpu.dma_semaphore, #tpu.memory_space<semaphore_mem>>
        %dma_start3A_33 = arith.constant 9360 : i32
        %dma_start3A_34 = arith.constant 0 : i32
        %dma_start3A_35 = tpu.memref_slice %arg5[%arg0, %dma_start3A_33, %dma_start3A_34] : memref<2x10000x1xf32, #tpu.memory_space<hbm>> -> memref<1x640x1xf32, #tpu.memory_space<hbm>>
        %dma_start3A_36 = tpu.memref_squeeze %dma_start3A_35 : memref<1x640x1xf32, #tpu.memory_space<hbm>> -> memref<640x1xf32, #tpu.memory_space<hbm>>
        %dma_start3A_37 = arith.constant 9360 : i32
        %dma_start3A_38 = arith.constant 0 : i32
        %dma_start3A_39 = tpu.memref_slice %arg6[%dma_start3A_37, %dma_start3A_38] : memref<10000x1xf32, #tpu.memory_space<vmem_shared>> -> memref<640x1xf32, #tpu.memory_space<vmem_shared>>
        tpu.enqueue_dma source(%dma_start3A_39 : memref<640x1xf32, #tpu.memory_space<vmem_shared>>) target(%dma_start3A_36 : memref<640x1xf32, #tpu.memory_space<hbm>>) target_semaphore(%run_scoped3A : memref<!tpu.dma_semaphore, #tpu.memory_space<semaphore_mem>>)
        %dma_wait3A_40 = arith.constant 9360 : i32
        %dma_wait3A_41 = arith.constant 0 : i32
        %dma_wait3A_42 = tpu.memref_slice %arg5[%arg0, %dma_wait3A_40, %dma_wait3A_41] : memref<2x10000x1xf32, #tpu.memory_space<hbm>> -> memref<1x640x1xf32, #tpu.memory_space<hbm>>
        %dma_wait3A_43 = tpu.memref_squeeze %dma_wait3A_42 : memref<1x640x1xf32, #tpu.memory_space<hbm>> -> memref<640x1xf32, #tpu.memory_space<hbm>>
        %dma_wait3A_44 = arith.constant 9360 : i32
        %dma_wait3A_45 = arith.constant 0 : i32
        %dma_wait3A_46 = tpu.memref_slice %arg6[%dma_wait3A_44, %dma_wait3A_45] : memref<10000x1xf32, #tpu.memory_space<vmem_shared>> -> memref<640x1xf32, #tpu.memory_space<vmem_shared>>
        tpu.wait_dma2 semaphore(%run_scoped3A : memref<!tpu.dma_semaphore, #tpu.memory_space<semaphore_mem>>) src(%dma_wait3A_46 : memref<640x1xf32, #tpu.memory_space<vmem_shared>>) dst(%dma_wait3A_43 : memref<640x1xf32, #tpu.memory_space<hbm>>)
        tpu.yield
      }) : () -> ()
    } else {
    }
    return
  }
}

#map = affine_map<(d0, d1) -> (0)>
#map1 = affine_map<(d0, d1) -> (0, 0)>
#map2 = affine_map<(d0, d1) -> (0, 0, 0)>
module attributes {stable_mosaic.version = 14 : i64} {
  func.func @_agg_body(%arg0: i32, %arg1: i32, %arg2: memref<331776xi32, #tpu.memory_space<hbm>>, %arg3: memref<331776xi32, #tpu.memory_space<hbm>>, %arg4: memref<10000x16xf32, #tpu.memory_space<hbm>>, %arg5: memref<648x16xf32, #tpu.memory_space<hbm>>, %arg6: memref<2x10000x16xf32, #tpu.memory_space<hbm>>, %arg7: memref<10008x16xf32, #tpu.memory_space<vmem_shared>>, %arg8: memref<10000x16xf32, #tpu.memory_space<vmem_shared>>, %arg9: memref<128xi32, #tpu.memory_space<vmem>>, %arg10: memref<128xi32, #tpu.memory_space<vmem>>, %arg11: memref<128xi32, #tpu.memory_space<vmem>>, %arg12: memref<128xi32, #tpu.memory_space<vmem>>, %arg13: memref<128xi32, #tpu.memory_space<vmem>>, %arg14: memref<128xi32, #tpu.memory_space<vmem>>, %arg15: memref<128x16xf32, #tpu.memory_space<vmem>>, %arg16: memref<128x16xf32, #tpu.memory_space<vmem>>, %arg17: memref<128x16xf32, #tpu.memory_space<vmem>>, %arg18: memref<!tpu.dma_semaphore, #tpu.memory_space<semaphore_mem>>, %arg19: memref<!tpu.dma_semaphore, #tpu.memory_space<semaphore_mem>>, %arg20: memref<!tpu.dma_semaphore, #tpu.memory_space<semaphore_mem>>, %arg21: memref<!tpu.dma_semaphore, #tpu.memory_space<semaphore_mem>>, %arg22: memref<!tpu.dma_semaphore, #tpu.memory_space<semaphore_mem>>, %arg23: memref<!tpu.dma_semaphore, #tpu.memory_space<semaphore_mem>>, %arg24: memref<!tpu.dma_semaphore, #tpu.memory_space<semaphore_mem>>, %arg25: memref<!tpu.dma_semaphore, #tpu.memory_space<semaphore_mem>>, %arg26: memref<!tpu.dma_semaphore, #tpu.memory_space<semaphore_mem>>) attributes {dimension_semantics = [#tpu.dimension_semantics<core_parallel>, #tpu.dimension_semantics<subcore_parallel>], iteration_bounds = array<i64: 2, 16>, scalar_prefetch = 0 : i64, scratch_operands = 20 : i64, tpu.core_type = #tpu.core_type<sc_vector_subcore>, window_params = [{transform_indices = #map}, {transform_indices = #map}, {transform_indices = #map1}, {transform_indices = #map1}, {transform_indices = #map2}]} {
    %mul3A = arith.constant 16 : i32
    %mul3A_0 = arith.muli %arg0, %mul3A : i32
    %add3A = arith.addi %mul3A_0, %arg1 : i32
    %mul3A_1 = arith.constant 10368 : i32
    %mul3A_2 = arith.muli %add3A, %mul3A_1 : i32
    %lt3A = arith.constant 15 : i32
    %lt3A_3 = arith.cmpi slt, %arg1, %lt3A : i32
    %convert_element_type3A = arith.extui %lt3A_3 : i1 to i32
    %cond3A = arith.constant 0 : i32
    %cond3A_4 = arith.cmpi ne, %convert_element_type3A, %cond3A : i32
    scf.if %cond3A_4 {
      %mul3A_55 = arith.constant 624 : i32
      %mul3A_56 = arith.muli %arg1, %mul3A_55 : i32
      "tpu.region"() ({
        %run_scoped3A = tpu.sem_alloc : memref<!tpu.dma_semaphore, #tpu.memory_space<semaphore_mem>>
        %dma_start3A_57 = arith.constant 0 : i32
        %dma_start3A_58 = tpu.memref_slice %arg7[%mul3A_56, %dma_start3A_57] : memref<10008x16xf32, #tpu.memory_space<vmem_shared>> -> memref<624x16xf32, #tpu.memory_space<vmem_shared>>
        %dma_start3A_59 = arith.constant 0 : i32
        %dma_start3A_60 = arith.constant 0 : i32
        %dma_start3A_61 = tpu.memref_slice %arg5[%dma_start3A_59, %dma_start3A_60] : memref<648x16xf32, #tpu.memory_space<hbm>> -> memref<624x16xf32, #tpu.memory_space<hbm>>
        tpu.enqueue_dma source(%dma_start3A_61 : memref<624x16xf32, #tpu.memory_space<hbm>>) target(%dma_start3A_58 : memref<624x16xf32, #tpu.memory_space<vmem_shared>>) target_semaphore(%run_scoped3A : memref<!tpu.dma_semaphore, #tpu.memory_space<semaphore_mem>>)
        %dma_wait3A_62 = arith.constant 0 : i32
        %dma_wait3A_63 = tpu.memref_slice %arg7[%mul3A_56, %dma_wait3A_62] : memref<10008x16xf32, #tpu.memory_space<vmem_shared>> -> memref<624x16xf32, #tpu.memory_space<vmem_shared>>
        %dma_wait3A_64 = arith.constant 0 : i32
        %dma_wait3A_65 = arith.constant 0 : i32
        %dma_wait3A_66 = tpu.memref_slice %arg5[%dma_wait3A_64, %dma_wait3A_65] : memref<648x16xf32, #tpu.memory_space<hbm>> -> memref<624x16xf32, #tpu.memory_space<hbm>>
        tpu.wait_dma2 semaphore(%run_scoped3A : memref<!tpu.dma_semaphore, #tpu.memory_space<semaphore_mem>>) src(%dma_wait3A_66 : memref<624x16xf32, #tpu.memory_space<hbm>>) dst(%dma_wait3A_63 : memref<624x16xf32, #tpu.memory_space<vmem_shared>>)
        tpu.yield
      }) : () -> ()
    } else {
    }
    %eq3A = arith.constant 15 : i32
    %eq3A_5 = arith.cmpi eq, %arg1, %eq3A : i32
    %convert_element_type3A_6 = arith.extui %eq3A_5 : i1 to i32
    %cond3A_7 = arith.constant 0 : i32
    %cond3A_8 = arith.cmpi ne, %convert_element_type3A_6, %cond3A_7 : i32
    scf.if %cond3A_8 {
      "tpu.region"() ({
        %run_scoped3A = tpu.sem_alloc : memref<!tpu.dma_semaphore, #tpu.memory_space<semaphore_mem>>
        %dma_start3A_55 = arith.constant 9360 : i32
        %dma_start3A_56 = arith.constant 0 : i32
        %dma_start3A_57 = tpu.memref_slice %arg7[%dma_start3A_55, %dma_start3A_56] : memref<10008x16xf32, #tpu.memory_space<vmem_shared>> -> memref<648x16xf32, #tpu.memory_space<vmem_shared>>
        tpu.enqueue_dma source(%arg5 : memref<648x16xf32, #tpu.memory_space<hbm>>) target(%dma_start3A_57 : memref<648x16xf32, #tpu.memory_space<vmem_shared>>) target_semaphore(%run_scoped3A : memref<!tpu.dma_semaphore, #tpu.memory_space<semaphore_mem>>)
        %dma_wait3A_58 = arith.constant 9360 : i32
        %dma_wait3A_59 = arith.constant 0 : i32
        %dma_wait3A_60 = tpu.memref_slice %arg7[%dma_wait3A_58, %dma_wait3A_59] : memref<10008x16xf32, #tpu.memory_space<vmem_shared>> -> memref<648x16xf32, #tpu.memory_space<vmem_shared>>
        tpu.wait_dma2 semaphore(%run_scoped3A : memref<!tpu.dma_semaphore, #tpu.memory_space<semaphore_mem>>) src(%arg5 : memref<648x16xf32, #tpu.memory_space<hbm>>) dst(%dma_wait3A_60 : memref<648x16xf32, #tpu.memory_space<vmem_shared>>)
        tpu.yield
      }) : () -> ()
    } else {
    }
    %lt3A_9 = arith.constant 15 : i32
    %lt3A_10 = arith.cmpi slt, %arg1, %lt3A_9 : i32
    %convert_element_type3A_11 = arith.extui %lt3A_10 : i1 to i32
    %cond3A_12 = arith.constant 0 : i32
    %cond3A_13 = arith.cmpi ne, %convert_element_type3A_11, %cond3A_12 : i32
    scf.if %cond3A_13 {
      %mul3A_55 = arith.constant 624 : i32
      %mul3A_56 = arith.muli %arg1, %mul3A_55 : i32
      %mul3A_57 = arith.constant 624 : i32
      %mul3A_58 = arith.muli %arg1, %mul3A_57 : i32
      "tpu.region"() ({
        %run_scoped3A = tpu.sem_alloc : memref<!tpu.dma_semaphore, #tpu.memory_space<semaphore_mem>>
        %dma_start3A_59 = arith.constant 0 : i32
        %dma_start3A_60 = tpu.memref_slice %arg8[%mul3A_58, %dma_start3A_59] : memref<10000x16xf32, #tpu.memory_space<vmem_shared>> -> memref<624x16xf32, #tpu.memory_space<vmem_shared>>
        %dma_start3A_61 = arith.constant 0 : i32
        %dma_start3A_62 = tpu.memref_slice %arg4[%mul3A_56, %dma_start3A_61] : memref<10000x16xf32, #tpu.memory_space<hbm>> -> memref<624x16xf32, #tpu.memory_space<hbm>>
        tpu.enqueue_dma source(%dma_start3A_62 : memref<624x16xf32, #tpu.memory_space<hbm>>) target(%dma_start3A_60 : memref<624x16xf32, #tpu.memory_space<vmem_shared>>) target_semaphore(%run_scoped3A : memref<!tpu.dma_semaphore, #tpu.memory_space<semaphore_mem>>)
        %dma_wait3A_63 = arith.constant 0 : i32
        %dma_wait3A_64 = tpu.memref_slice %arg8[%mul3A_58, %dma_wait3A_63] : memref<10000x16xf32, #tpu.memory_space<vmem_shared>> -> memref<624x16xf32, #tpu.memory_space<vmem_shared>>
        %dma_wait3A_65 = arith.constant 0 : i32
        %dma_wait3A_66 = tpu.memref_slice %arg4[%mul3A_56, %dma_wait3A_65] : memref<10000x16xf32, #tpu.memory_space<hbm>> -> memref<624x16xf32, #tpu.memory_space<hbm>>
        tpu.wait_dma2 semaphore(%run_scoped3A : memref<!tpu.dma_semaphore, #tpu.memory_space<semaphore_mem>>) src(%dma_wait3A_66 : memref<624x16xf32, #tpu.memory_space<hbm>>) dst(%dma_wait3A_64 : memref<624x16xf32, #tpu.memory_space<vmem_shared>>)
        tpu.yield
      }) : () -> ()
    } else {
    }
    %eq3A_14 = arith.constant 15 : i32
    %eq3A_15 = arith.cmpi eq, %arg1, %eq3A_14 : i32
    %convert_element_type3A_16 = arith.extui %eq3A_15 : i1 to i32
    %cond3A_17 = arith.constant 0 : i32
    %cond3A_18 = arith.cmpi ne, %convert_element_type3A_16, %cond3A_17 : i32
    scf.if %cond3A_18 {
      "tpu.region"() ({
        %run_scoped3A = tpu.sem_alloc : memref<!tpu.dma_semaphore, #tpu.memory_space<semaphore_mem>>
        %dma_start3A_55 = arith.constant 9360 : i32
        %dma_start3A_56 = arith.constant 0 : i32
        %dma_start3A_57 = tpu.memref_slice %arg8[%dma_start3A_55, %dma_start3A_56] : memref<10000x16xf32, #tpu.memory_space<vmem_shared>> -> memref<640x16xf32, #tpu.memory_space<vmem_shared>>
        %dma_start3A_58 = arith.constant 9360 : i32
        %dma_start3A_59 = arith.constant 0 : i32
        %dma_start3A_60 = tpu.memref_slice %arg4[%dma_start3A_58, %dma_start3A_59] : memref<10000x16xf32, #tpu.memory_space<hbm>> -> memref<640x16xf32, #tpu.memory_space<hbm>>
        tpu.enqueue_dma source(%dma_start3A_60 : memref<640x16xf32, #tpu.memory_space<hbm>>) target(%dma_start3A_57 : memref<640x16xf32, #tpu.memory_space<vmem_shared>>) target_semaphore(%run_scoped3A : memref<!tpu.dma_semaphore, #tpu.memory_space<semaphore_mem>>)
        %dma_wait3A_61 = arith.constant 9360 : i32
        %dma_wait3A_62 = arith.constant 0 : i32
        %dma_wait3A_63 = tpu.memref_slice %arg8[%dma_wait3A_61, %dma_wait3A_62] : memref<10000x16xf32, #tpu.memory_space<vmem_shared>> -> memref<640x16xf32, #tpu.memory_space<vmem_shared>>
        %dma_wait3A_64 = arith.constant 9360 : i32
        %dma_wait3A_65 = arith.constant 0 : i32
        %dma_wait3A_66 = tpu.memref_slice %arg4[%dma_wait3A_64, %dma_wait3A_65] : memref<10000x16xf32, #tpu.memory_space<hbm>> -> memref<640x16xf32, #tpu.memory_space<hbm>>
        tpu.wait_dma2 semaphore(%run_scoped3A : memref<!tpu.dma_semaphore, #tpu.memory_space<semaphore_mem>>) src(%dma_wait3A_66 : memref<640x16xf32, #tpu.memory_space<hbm>>) dst(%dma_wait3A_63 : memref<640x16xf32, #tpu.memory_space<vmem_shared>>)
        tpu.yield
      }) : () -> ()
    } else {
    }
    %barrier3A = arith.constant 0 : index
    tpu.barrier barrier_id(%barrier3A)
    %add3A_19 = arith.constant 0 : i32
    %add3A_20 = arith.addi %mul3A_2, %add3A_19 : i32
    %dma_start3A = tpu.memref_slice %arg2[%add3A_20] : memref<331776xi32, #tpu.memory_space<hbm>> -> memref<128xi32, #tpu.memory_space<hbm>>
    %dma_start3A_21 = tpu.memref_slice %arg2[%add3A_20] : memref<331776xi32, #tpu.memory_space<hbm>> -> memref<128xi32, #tpu.memory_space<hbm>>
    tpu.enqueue_dma source(%dma_start3A_21 : memref<128xi32, #tpu.memory_space<hbm>>) target(%arg9 : memref<128xi32, #tpu.memory_space<vmem>>) target_semaphore(%arg18 : memref<!tpu.dma_semaphore, #tpu.memory_space<semaphore_mem>>)
    %dma_start3A_22 = tpu.memref_slice %arg3[%add3A_20] : memref<331776xi32, #tpu.memory_space<hbm>> -> memref<128xi32, #tpu.memory_space<hbm>>
    %dma_start3A_23 = tpu.memref_slice %arg3[%add3A_20] : memref<331776xi32, #tpu.memory_space<hbm>> -> memref<128xi32, #tpu.memory_space<hbm>>
    tpu.enqueue_dma source(%dma_start3A_23 : memref<128xi32, #tpu.memory_space<hbm>>) target(%arg12 : memref<128xi32, #tpu.memory_space<vmem>>) target_semaphore(%arg18 : memref<!tpu.dma_semaphore, #tpu.memory_space<semaphore_mem>>)
    %add3A_24 = arith.constant 128 : i32
    %add3A_25 = arith.addi %mul3A_2, %add3A_24 : i32
    %dma_start3A_26 = tpu.memref_slice %arg2[%add3A_25] : memref<331776xi32, #tpu.memory_space<hbm>> -> memref<128xi32, #tpu.memory_space<hbm>>
    %dma_start3A_27 = tpu.memref_slice %arg2[%add3A_25] : memref<331776xi32, #tpu.memory_space<hbm>> -> memref<128xi32, #tpu.memory_space<hbm>>
    tpu.enqueue_dma source(%dma_start3A_27 : memref<128xi32, #tpu.memory_space<hbm>>) target(%arg10 : memref<128xi32, #tpu.memory_space<vmem>>) target_semaphore(%arg19 : memref<!tpu.dma_semaphore, #tpu.memory_space<semaphore_mem>>)
    %dma_start3A_28 = tpu.memref_slice %arg3[%add3A_25] : memref<331776xi32, #tpu.memory_space<hbm>> -> memref<128xi32, #tpu.memory_space<hbm>>
    %dma_start3A_29 = tpu.memref_slice %arg3[%add3A_25] : memref<331776xi32, #tpu.memory_space<hbm>> -> memref<128xi32, #tpu.memory_space<hbm>>
    tpu.enqueue_dma source(%dma_start3A_29 : memref<128xi32, #tpu.memory_space<hbm>>) target(%arg13 : memref<128xi32, #tpu.memory_space<vmem>>) target_semaphore(%arg19 : memref<!tpu.dma_semaphore, #tpu.memory_space<semaphore_mem>>)
    %dma_wait3A = tpu.memref_slice %arg2[%mul3A_2] : memref<331776xi32, #tpu.memory_space<hbm>> -> memref<128xi32, #tpu.memory_space<hbm>>
    %dma_wait3A_30 = tpu.memref_slice %arg2[%mul3A_2] : memref<331776xi32, #tpu.memory_space<hbm>> -> memref<128xi32, #tpu.memory_space<hbm>>
    tpu.wait_dma2 semaphore(%arg18 : memref<!tpu.dma_semaphore, #tpu.memory_space<semaphore_mem>>) src(%dma_wait3A_30 : memref<128xi32, #tpu.memory_space<hbm>>) dst(%arg9 : memref<128xi32, #tpu.memory_space<vmem>>)
    %dma_wait3A_31 = tpu.memref_slice %arg3[%mul3A_2] : memref<331776xi32, #tpu.memory_space<hbm>> -> memref<128xi32, #tpu.memory_space<hbm>>
    %dma_wait3A_32 = tpu.memref_slice %arg3[%mul3A_2] : memref<331776xi32, #tpu.memory_space<hbm>> -> memref<128xi32, #tpu.memory_space<hbm>>
    tpu.wait_dma2 semaphore(%arg18 : memref<!tpu.dma_semaphore, #tpu.memory_space<semaphore_mem>>) src(%dma_wait3A_32 : memref<128xi32, #tpu.memory_space<hbm>>) dst(%arg12 : memref<128xi32, #tpu.memory_space<vmem>>)
    %dma_start3A_33 = arith.constant 0 : i32
    %dma_start3A_34 = arith.constant 0 : i32
    %dma_start3A_35 = tpu.memref_slice %arg8[%dma_start3A_33, %dma_start3A_34] : memref<10000x16xf32, #tpu.memory_space<vmem_shared>> -> memref<10000x16xf32, #tpu.memory_space<vmem_shared>>
    tpu.enqueue_indirect_dma source(%dma_start3A_35 : memref<10000x16xf32, #tpu.memory_space<vmem_shared>>) target(%arg15 : memref<128x16xf32, #tpu.memory_space<vmem>>) offsets(%arg9 : memref<128xi32, #tpu.memory_space<vmem>>) semaphore(%arg21 : memref<!tpu.dma_semaphore, #tpu.memory_space<semaphore_mem>>)
    %scan3A = arith.constant 0 : i32
    %scan3A_36 = arith.constant 0 : i32
    %scan3A_37 = arith.constant 27 : i32
    %scan3A_38 = arith.addi %scan3A_36, %scan3A_37 : i32
    %scan3A_39 = arith.constant 1 : i32
    scf.for %scan3A_55 = %scan3A_36 to %scan3A_38 step %scan3A_39  : i32 {
      %mul3A_56 = arith.constant 3 : i32
      %mul3A_57 = arith.muli %mul3A_56, %scan3A_55 : i32
      %add3A_58 = arith.constant 0 : i32
      %add3A_59 = arith.addi %mul3A_57, %add3A_58 : i32
      %ge3A = arith.constant 1 : i32
      %ge3A_60 = arith.cmpi sge, %scan3A_55, %ge3A : i32
      %convert_element_type3A_61 = arith.extui %ge3A_60 : i1 to i32
      %cond3A_62 = arith.constant 0 : i32
      %cond3A_63 = arith.cmpi ne, %convert_element_type3A_61, %cond3A_62 : i32
      scf.if %cond3A_63 {
        %dma_wait3A_134 = arith.constant 0 : i32
        %dma_wait3A_135 = arith.constant 0 : i32
        %dma_wait3A_136 = tpu.memref_slice %arg7[%dma_wait3A_134, %dma_wait3A_135] : memref<10008x16xf32, #tpu.memory_space<vmem_shared>> -> memref<10008x16xf32, #tpu.memory_space<vmem_shared>>
        tpu.wait_indirect_dma semaphore(%arg26 : memref<!tpu.dma_semaphore, #tpu.memory_space<semaphore_mem>>) src(%arg17 : memref<128x16xf32, #tpu.memory_space<vmem>>) dst(%dma_wait3A_136 : memref<10008x16xf32, #tpu.memory_space<vmem_shared>>)
        %add3A_137 = arith.constant 2 : i32
        %add3A_138 = arith.addi %add3A_59, %add3A_137 : i32
        %mul3A_139 = arith.constant 128 : i32
        %mul3A_140 = arith.muli %add3A_138, %mul3A_139 : i32
        %add3A_141 = arith.addi %mul3A_2, %mul3A_140 : i32
        %dma_start3A_142 = tpu.memref_slice %arg2[%add3A_141] : memref<331776xi32, #tpu.memory_space<hbm>> -> memref<128xi32, #tpu.memory_space<hbm>>
        %dma_start3A_143 = tpu.memref_slice %arg2[%add3A_141] : memref<331776xi32, #tpu.memory_space<hbm>> -> memref<128xi32, #tpu.memory_space<hbm>>
        tpu.enqueue_dma source(%dma_start3A_143 : memref<128xi32, #tpu.memory_space<hbm>>) target(%arg11 : memref<128xi32, #tpu.memory_space<vmem>>) target_semaphore(%arg20 : memref<!tpu.dma_semaphore, #tpu.memory_space<semaphore_mem>>)
        %dma_start3A_144 = tpu.memref_slice %arg3[%add3A_141] : memref<331776xi32, #tpu.memory_space<hbm>> -> memref<128xi32, #tpu.memory_space<hbm>>
        %dma_start3A_145 = tpu.memref_slice %arg3[%add3A_141] : memref<331776xi32, #tpu.memory_space<hbm>> -> memref<128xi32, #tpu.memory_space<hbm>>
        tpu.enqueue_dma source(%dma_start3A_145 : memref<128xi32, #tpu.memory_space<hbm>>) target(%arg14 : memref<128xi32, #tpu.memory_space<vmem>>) target_semaphore(%arg20 : memref<!tpu.dma_semaphore, #tpu.memory_space<semaphore_mem>>)
      } else {
      }
      %eq3A_64 = arith.constant 0 : i32
      %eq3A_65 = arith.cmpi eq, %scan3A_55, %eq3A_64 : i32
      %convert_element_type3A_66 = arith.extui %eq3A_65 : i1 to i32
      %cond3A_67 = arith.constant 0 : i32
      %cond3A_68 = arith.cmpi ne, %convert_element_type3A_66, %cond3A_67 : i32
      scf.if %cond3A_68 {
        %add3A_134 = arith.constant 256 : i32
        %add3A_135 = arith.addi %mul3A_2, %add3A_134 : i32
        %dma_start3A_136 = tpu.memref_slice %arg2[%add3A_135] : memref<331776xi32, #tpu.memory_space<hbm>> -> memref<128xi32, #tpu.memory_space<hbm>>
        %dma_start3A_137 = tpu.memref_slice %arg2[%add3A_135] : memref<331776xi32, #tpu.memory_space<hbm>> -> memref<128xi32, #tpu.memory_space<hbm>>
        tpu.enqueue_dma source(%dma_start3A_137 : memref<128xi32, #tpu.memory_space<hbm>>) target(%arg11 : memref<128xi32, #tpu.memory_space<vmem>>) target_semaphore(%arg20 : memref<!tpu.dma_semaphore, #tpu.memory_space<semaphore_mem>>)
        %dma_start3A_138 = tpu.memref_slice %arg3[%add3A_135] : memref<331776xi32, #tpu.memory_space<hbm>> -> memref<128xi32, #tpu.memory_space<hbm>>
        %dma_start3A_139 = tpu.memref_slice %arg3[%add3A_135] : memref<331776xi32, #tpu.memory_space<hbm>> -> memref<128xi32, #tpu.memory_space<hbm>>
        tpu.enqueue_dma source(%dma_start3A_139 : memref<128xi32, #tpu.memory_space<hbm>>) target(%arg14 : memref<128xi32, #tpu.memory_space<vmem>>) target_semaphore(%arg20 : memref<!tpu.dma_semaphore, #tpu.memory_space<semaphore_mem>>)
      } else {
      }
      %dma_wait3A_69 = arith.constant 0 : i32
      %dma_wait3A_70 = arith.constant 0 : i32
      %dma_wait3A_71 = tpu.memref_slice %arg8[%dma_wait3A_69, %dma_wait3A_70] : memref<10000x16xf32, #tpu.memory_space<vmem_shared>> -> memref<10000x16xf32, #tpu.memory_space<vmem_shared>>
      tpu.wait_indirect_dma semaphore(%arg21 : memref<!tpu.dma_semaphore, #tpu.memory_space<semaphore_mem>>) src(%dma_wait3A_71 : memref<10000x16xf32, #tpu.memory_space<vmem_shared>>) dst(%arg15 : memref<128x16xf32, #tpu.memory_space<vmem>>)
      %dma_wait3A_72 = tpu.memref_slice %arg2[%mul3A_2] : memref<331776xi32, #tpu.memory_space<hbm>> -> memref<128xi32, #tpu.memory_space<hbm>>
      %dma_wait3A_73 = tpu.memref_slice %arg2[%mul3A_2] : memref<331776xi32, #tpu.memory_space<hbm>> -> memref<128xi32, #tpu.memory_space<hbm>>
      tpu.wait_dma2 semaphore(%arg19 : memref<!tpu.dma_semaphore, #tpu.memory_space<semaphore_mem>>) src(%dma_wait3A_73 : memref<128xi32, #tpu.memory_space<hbm>>) dst(%arg10 : memref<128xi32, #tpu.memory_space<vmem>>)
      %dma_wait3A_74 = tpu.memref_slice %arg3[%mul3A_2] : memref<331776xi32, #tpu.memory_space<hbm>> -> memref<128xi32, #tpu.memory_space<hbm>>
      %dma_wait3A_75 = tpu.memref_slice %arg3[%mul3A_2] : memref<331776xi32, #tpu.memory_space<hbm>> -> memref<128xi32, #tpu.memory_space<hbm>>
      tpu.wait_dma2 semaphore(%arg19 : memref<!tpu.dma_semaphore, #tpu.memory_space<semaphore_mem>>) src(%dma_wait3A_75 : memref<128xi32, #tpu.memory_space<hbm>>) dst(%arg13 : memref<128xi32, #tpu.memory_space<vmem>>)
      %dma_start3A_76 = arith.constant 0 : i32
      %dma_start3A_77 = arith.constant 0 : i32
      %dma_start3A_78 = tpu.memref_slice %arg8[%dma_start3A_76, %dma_start3A_77] : memref<10000x16xf32, #tpu.memory_space<vmem_shared>> -> memref<10000x16xf32, #tpu.memory_space<vmem_shared>>
      tpu.enqueue_indirect_dma source(%dma_start3A_78 : memref<10000x16xf32, #tpu.memory_space<vmem_shared>>) target(%arg16 : memref<128x16xf32, #tpu.memory_space<vmem>>) offsets(%arg10 : memref<128xi32, #tpu.memory_space<vmem>>) semaphore(%arg22 : memref<!tpu.dma_semaphore, #tpu.memory_space<semaphore_mem>>)
      %dma_start3A_79 = arith.constant 0 : i32
      %dma_start3A_80 = arith.constant 0 : i32
      %dma_start3A_81 = tpu.memref_slice %arg7[%dma_start3A_79, %dma_start3A_80] : memref<10008x16xf32, #tpu.memory_space<vmem_shared>> -> memref<10008x16xf32, #tpu.memory_space<vmem_shared>>
      tpu.enqueue_indirect_dma source(%arg15 : memref<128x16xf32, #tpu.memory_space<vmem>>) target(%dma_start3A_81 : memref<10008x16xf32, #tpu.memory_space<vmem_shared>>) offsets(%arg12 : memref<128xi32, #tpu.memory_space<vmem>>) semaphore(%arg24 : memref<!tpu.dma_semaphore, #tpu.memory_space<semaphore_mem>>) {add = true}
      %mul3A_82 = arith.constant 3 : i32
      %mul3A_83 = arith.muli %mul3A_82, %scan3A_55 : i32
      %add3A_84 = arith.constant 1 : i32
      %add3A_85 = arith.addi %mul3A_83, %add3A_84 : i32
      %lt3A_86 = arith.constant 26 : i32
      %lt3A_87 = arith.cmpi slt, %scan3A_55, %lt3A_86 : i32
      %convert_element_type3A_88 = arith.extui %lt3A_87 : i1 to i32
      %cond3A_89 = arith.constant 0 : i32
      %cond3A_90 = arith.cmpi ne, %convert_element_type3A_88, %cond3A_89 : i32
      scf.if %cond3A_90 {
        %dma_wait3A_134 = arith.constant 0 : i32
        %dma_wait3A_135 = arith.constant 0 : i32
        %dma_wait3A_136 = tpu.memref_slice %arg7[%dma_wait3A_134, %dma_wait3A_135] : memref<10008x16xf32, #tpu.memory_space<vmem_shared>> -> memref<10008x16xf32, #tpu.memory_space<vmem_shared>>
        tpu.wait_indirect_dma semaphore(%arg24 : memref<!tpu.dma_semaphore, #tpu.memory_space<semaphore_mem>>) src(%arg15 : memref<128x16xf32, #tpu.memory_space<vmem>>) dst(%dma_wait3A_136 : memref<10008x16xf32, #tpu.memory_space<vmem_shared>>)
        %add3A_137 = arith.constant 2 : i32
        %add3A_138 = arith.addi %add3A_85, %add3A_137 : i32
        %mul3A_139 = arith.constant 128 : i32
        %mul3A_140 = arith.muli %add3A_138, %mul3A_139 : i32
        %add3A_141 = arith.addi %mul3A_2, %mul3A_140 : i32
        %dma_start3A_142 = tpu.memref_slice %arg2[%add3A_141] : memref<331776xi32, #tpu.memory_space<hbm>> -> memref<128xi32, #tpu.memory_space<hbm>>
        %dma_start3A_143 = tpu.memref_slice %arg2[%add3A_141] : memref<331776xi32, #tpu.memory_space<hbm>> -> memref<128xi32, #tpu.memory_space<hbm>>
        tpu.enqueue_dma source(%dma_start3A_143 : memref<128xi32, #tpu.memory_space<hbm>>) target(%arg9 : memref<128xi32, #tpu.memory_space<vmem>>) target_semaphore(%arg18 : memref<!tpu.dma_semaphore, #tpu.memory_space<semaphore_mem>>)
        %dma_start3A_144 = tpu.memref_slice %arg3[%add3A_141] : memref<331776xi32, #tpu.memory_space<hbm>> -> memref<128xi32, #tpu.memory_space<hbm>>
        %dma_start3A_145 = tpu.memref_slice %arg3[%add3A_141] : memref<331776xi32, #tpu.memory_space<hbm>> -> memref<128xi32, #tpu.memory_space<hbm>>
        tpu.enqueue_dma source(%dma_start3A_145 : memref<128xi32, #tpu.memory_space<hbm>>) target(%arg12 : memref<128xi32, #tpu.memory_space<vmem>>) target_semaphore(%arg18 : memref<!tpu.dma_semaphore, #tpu.memory_space<semaphore_mem>>)
      } else {
      }
      %eq3A_91 = arith.constant 26 : i32
      %eq3A_92 = arith.cmpi eq, %scan3A_55, %eq3A_91 : i32
      %convert_element_type3A_93 = arith.extui %eq3A_92 : i1 to i32
      %cond3A_94 = arith.constant 0 : i32
      %cond3A_95 = arith.cmpi ne, %convert_element_type3A_93, %cond3A_94 : i32
      scf.if %cond3A_95 {
        %dma_wait3A_134 = arith.constant 0 : i32
        %dma_wait3A_135 = arith.constant 0 : i32
        %dma_wait3A_136 = tpu.memref_slice %arg7[%dma_wait3A_134, %dma_wait3A_135] : memref<10008x16xf32, #tpu.memory_space<vmem_shared>> -> memref<10008x16xf32, #tpu.memory_space<vmem_shared>>
        tpu.wait_indirect_dma semaphore(%arg24 : memref<!tpu.dma_semaphore, #tpu.memory_space<semaphore_mem>>) src(%arg15 : memref<128x16xf32, #tpu.memory_space<vmem>>) dst(%dma_wait3A_136 : memref<10008x16xf32, #tpu.memory_space<vmem_shared>>)
      } else {
      }
      %dma_wait3A_96 = arith.constant 0 : i32
      %dma_wait3A_97 = arith.constant 0 : i32
      %dma_wait3A_98 = tpu.memref_slice %arg8[%dma_wait3A_96, %dma_wait3A_97] : memref<10000x16xf32, #tpu.memory_space<vmem_shared>> -> memref<10000x16xf32, #tpu.memory_space<vmem_shared>>
      tpu.wait_indirect_dma semaphore(%arg22 : memref<!tpu.dma_semaphore, #tpu.memory_space<semaphore_mem>>) src(%dma_wait3A_98 : memref<10000x16xf32, #tpu.memory_space<vmem_shared>>) dst(%arg16 : memref<128x16xf32, #tpu.memory_space<vmem>>)
      %dma_wait3A_99 = tpu.memref_slice %arg2[%mul3A_2] : memref<331776xi32, #tpu.memory_space<hbm>> -> memref<128xi32, #tpu.memory_space<hbm>>
      %dma_wait3A_100 = tpu.memref_slice %arg2[%mul3A_2] : memref<331776xi32, #tpu.memory_space<hbm>> -> memref<128xi32, #tpu.memory_space<hbm>>
      tpu.wait_dma2 semaphore(%arg20 : memref<!tpu.dma_semaphore, #tpu.memory_space<semaphore_mem>>) src(%dma_wait3A_100 : memref<128xi32, #tpu.memory_space<hbm>>) dst(%arg11 : memref<128xi32, #tpu.memory_space<vmem>>)
      %dma_wait3A_101 = tpu.memref_slice %arg3[%mul3A_2] : memref<331776xi32, #tpu.memory_space<hbm>> -> memref<128xi32, #tpu.memory_space<hbm>>
      %dma_wait3A_102 = tpu.memref_slice %arg3[%mul3A_2] : memref<331776xi32, #tpu.memory_space<hbm>> -> memref<128xi32, #tpu.memory_space<hbm>>
      tpu.wait_dma2 semaphore(%arg20 : memref<!tpu.dma_semaphore, #tpu.memory_space<semaphore_mem>>) src(%dma_wait3A_102 : memref<128xi32, #tpu.memory_space<hbm>>) dst(%arg14 : memref<128xi32, #tpu.memory_space<vmem>>)
      %dma_start3A_103 = arith.constant 0 : i32
      %dma_start3A_104 = arith.constant 0 : i32
      %dma_start3A_105 = tpu.memref_slice %arg8[%dma_start3A_103, %dma_start3A_104] : memref<10000x16xf32, #tpu.memory_space<vmem_shared>> -> memref<10000x16xf32, #tpu.memory_space<vmem_shared>>
      tpu.enqueue_indirect_dma source(%dma_start3A_105 : memref<10000x16xf32, #tpu.memory_space<vmem_shared>>) target(%arg17 : memref<128x16xf32, #tpu.memory_space<vmem>>) offsets(%arg11 : memref<128xi32, #tpu.memory_space<vmem>>) semaphore(%arg23 : memref<!tpu.dma_semaphore, #tpu.memory_space<semaphore_mem>>)
      %dma_start3A_106 = arith.constant 0 : i32
      %dma_start3A_107 = arith.constant 0 : i32
      %dma_start3A_108 = tpu.memref_slice %arg7[%dma_start3A_106, %dma_start3A_107] : memref<10008x16xf32, #tpu.memory_space<vmem_shared>> -> memref<10008x16xf32, #tpu.memory_space<vmem_shared>>
      tpu.enqueue_indirect_dma source(%arg16 : memref<128x16xf32, #tpu.memory_space<vmem>>) target(%dma_start3A_108 : memref<10008x16xf32, #tpu.memory_space<vmem_shared>>) offsets(%arg13 : memref<128xi32, #tpu.memory_space<vmem>>) semaphore(%arg25 : memref<!tpu.dma_semaphore, #tpu.memory_space<semaphore_mem>>) {add = true}
      %mul3A_109 = arith.constant 3 : i32
      %mul3A_110 = arith.muli %mul3A_109, %scan3A_55 : i32
      %add3A_111 = arith.constant 2 : i32
      %add3A_112 = arith.addi %mul3A_110, %add3A_111 : i32
      %lt3A_113 = arith.constant 26 : i32
      %lt3A_114 = arith.cmpi slt, %scan3A_55, %lt3A_113 : i32
      %convert_element_type3A_115 = arith.extui %lt3A_114 : i1 to i32
      %cond3A_116 = arith.constant 0 : i32
      %cond3A_117 = arith.cmpi ne, %convert_element_type3A_115, %cond3A_116 : i32
      scf.if %cond3A_117 {
        %dma_wait3A_134 = arith.constant 0 : i32
        %dma_wait3A_135 = arith.constant 0 : i32
        %dma_wait3A_136 = tpu.memref_slice %arg7[%dma_wait3A_134, %dma_wait3A_135] : memref<10008x16xf32, #tpu.memory_space<vmem_shared>> -> memref<10008x16xf32, #tpu.memory_space<vmem_shared>>
        tpu.wait_indirect_dma semaphore(%arg25 : memref<!tpu.dma_semaphore, #tpu.memory_space<semaphore_mem>>) src(%arg16 : memref<128x16xf32, #tpu.memory_space<vmem>>) dst(%dma_wait3A_136 : memref<10008x16xf32, #tpu.memory_space<vmem_shared>>)
        %add3A_137 = arith.constant 2 : i32
        %add3A_138 = arith.addi %add3A_112, %add3A_137 : i32
        %mul3A_139 = arith.constant 128 : i32
        %mul3A_140 = arith.muli %add3A_138, %mul3A_139 : i32
        %add3A_141 = arith.addi %mul3A_2, %mul3A_140 : i32
        %dma_start3A_142 = tpu.memref_slice %arg2[%add3A_141] : memref<331776xi32, #tpu.memory_space<hbm>> -> memref<128xi32, #tpu.memory_space<hbm>>
        %dma_start3A_143 = tpu.memref_slice %arg2[%add3A_141] : memref<331776xi32, #tpu.memory_space<hbm>> -> memref<128xi32, #tpu.memory_space<hbm>>
        tpu.enqueue_dma source(%dma_start3A_143 : memref<128xi32, #tpu.memory_space<hbm>>) target(%arg10 : memref<128xi32, #tpu.memory_space<vmem>>) target_semaphore(%arg19 : memref<!tpu.dma_semaphore, #tpu.memory_space<semaphore_mem>>)
        %dma_start3A_144 = tpu.memref_slice %arg3[%add3A_141] : memref<331776xi32, #tpu.memory_space<hbm>> -> memref<128xi32, #tpu.memory_space<hbm>>
        %dma_start3A_145 = tpu.memref_slice %arg3[%add3A_141] : memref<331776xi32, #tpu.memory_space<hbm>> -> memref<128xi32, #tpu.memory_space<hbm>>
        tpu.enqueue_dma source(%dma_start3A_145 : memref<128xi32, #tpu.memory_space<hbm>>) target(%arg13 : memref<128xi32, #tpu.memory_space<vmem>>) target_semaphore(%arg19 : memref<!tpu.dma_semaphore, #tpu.memory_space<semaphore_mem>>)
      } else {
      }
      %eq3A_118 = arith.constant 26 : i32
      %eq3A_119 = arith.cmpi eq, %scan3A_55, %eq3A_118 : i32
      %convert_element_type3A_120 = arith.extui %eq3A_119 : i1 to i32
      %cond3A_121 = arith.constant 0 : i32
      %cond3A_122 = arith.cmpi ne, %convert_element_type3A_120, %cond3A_121 : i32
      scf.if %cond3A_122 {
        %dma_wait3A_134 = arith.constant 0 : i32
        %dma_wait3A_135 = arith.constant 0 : i32
        %dma_wait3A_136 = tpu.memref_slice %arg7[%dma_wait3A_134, %dma_wait3A_135] : memref<10008x16xf32, #tpu.memory_space<vmem_shared>> -> memref<10008x16xf32, #tpu.memory_space<vmem_shared>>
        tpu.wait_indirect_dma semaphore(%arg25 : memref<!tpu.dma_semaphore, #tpu.memory_space<semaphore_mem>>) src(%arg16 : memref<128x16xf32, #tpu.memory_space<vmem>>) dst(%dma_wait3A_136 : memref<10008x16xf32, #tpu.memory_space<vmem_shared>>)
      } else {
      }
      %dma_wait3A_123 = arith.constant 0 : i32
      %dma_wait3A_124 = arith.constant 0 : i32
      %dma_wait3A_125 = tpu.memref_slice %arg8[%dma_wait3A_123, %dma_wait3A_124] : memref<10000x16xf32, #tpu.memory_space<vmem_shared>> -> memref<10000x16xf32, #tpu.memory_space<vmem_shared>>
      tpu.wait_indirect_dma semaphore(%arg23 : memref<!tpu.dma_semaphore, #tpu.memory_space<semaphore_mem>>) src(%dma_wait3A_125 : memref<10000x16xf32, #tpu.memory_space<vmem_shared>>) dst(%arg17 : memref<128x16xf32, #tpu.memory_space<vmem>>)
      %lt3A_126 = arith.constant 26 : i32
      %lt3A_127 = arith.cmpi slt, %scan3A_55, %lt3A_126 : i32
      %convert_element_type3A_128 = arith.extui %lt3A_127 : i1 to i32
      %cond3A_129 = arith.constant 0 : i32
      %cond3A_130 = arith.cmpi ne, %convert_element_type3A_128, %cond3A_129 : i32
      scf.if %cond3A_130 {
        %dma_wait3A_134 = tpu.memref_slice %arg2[%mul3A_2] : memref<331776xi32, #tpu.memory_space<hbm>> -> memref<128xi32, #tpu.memory_space<hbm>>
        %dma_wait3A_135 = tpu.memref_slice %arg2[%mul3A_2] : memref<331776xi32, #tpu.memory_space<hbm>> -> memref<128xi32, #tpu.memory_space<hbm>>
        tpu.wait_dma2 semaphore(%arg18 : memref<!tpu.dma_semaphore, #tpu.memory_space<semaphore_mem>>) src(%dma_wait3A_135 : memref<128xi32, #tpu.memory_space<hbm>>) dst(%arg9 : memref<128xi32, #tpu.memory_space<vmem>>)
        %dma_wait3A_136 = tpu.memref_slice %arg3[%mul3A_2] : memref<331776xi32, #tpu.memory_space<hbm>> -> memref<128xi32, #tpu.memory_space<hbm>>
        %dma_wait3A_137 = tpu.memref_slice %arg3[%mul3A_2] : memref<331776xi32, #tpu.memory_space<hbm>> -> memref<128xi32, #tpu.memory_space<hbm>>
        tpu.wait_dma2 semaphore(%arg18 : memref<!tpu.dma_semaphore, #tpu.memory_space<semaphore_mem>>) src(%dma_wait3A_137 : memref<128xi32, #tpu.memory_space<hbm>>) dst(%arg12 : memref<128xi32, #tpu.memory_space<vmem>>)
        %dma_start3A_138 = arith.constant 0 : i32
        %dma_start3A_139 = arith.constant 0 : i32
        %dma_start3A_140 = tpu.memref_slice %arg8[%dma_start3A_138, %dma_start3A_139] : memref<10000x16xf32, #tpu.memory_space<vmem_shared>> -> memref<10000x16xf32, #tpu.memory_space<vmem_shared>>
        tpu.enqueue_indirect_dma source(%dma_start3A_140 : memref<10000x16xf32, #tpu.memory_space<vmem_shared>>) target(%arg15 : memref<128x16xf32, #tpu.memory_space<vmem>>) offsets(%arg9 : memref<128xi32, #tpu.memory_space<vmem>>) semaphore(%arg21 : memref<!tpu.dma_semaphore, #tpu.memory_space<semaphore_mem>>)
      } else {
      }
      %dma_start3A_131 = arith.constant 0 : i32
      %dma_start3A_132 = arith.constant 0 : i32
      %dma_start3A_133 = tpu.memref_slice %arg7[%dma_start3A_131, %dma_start3A_132] : memref<10008x16xf32, #tpu.memory_space<vmem_shared>> -> memref<10008x16xf32, #tpu.memory_space<vmem_shared>>
      tpu.enqueue_indirect_dma source(%arg17 : memref<128x16xf32, #tpu.memory_space<vmem>>) target(%dma_start3A_133 : memref<10008x16xf32, #tpu.memory_space<vmem_shared>>) offsets(%arg14 : memref<128xi32, #tpu.memory_space<vmem>>) semaphore(%arg26 : memref<!tpu.dma_semaphore, #tpu.memory_space<semaphore_mem>>) {add = true}
    }
    %scan3A_40 = arith.constant 27 : i32
    %dma_wait3A_41 = arith.constant 0 : i32
    %dma_wait3A_42 = arith.constant 0 : i32
    %dma_wait3A_43 = tpu.memref_slice %arg7[%dma_wait3A_41, %dma_wait3A_42] : memref<10008x16xf32, #tpu.memory_space<vmem_shared>> -> memref<10008x16xf32, #tpu.memory_space<vmem_shared>>
    tpu.wait_indirect_dma semaphore(%arg26 : memref<!tpu.dma_semaphore, #tpu.memory_space<semaphore_mem>>) src(%arg17 : memref<128x16xf32, #tpu.memory_space<vmem>>) dst(%dma_wait3A_43 : memref<10008x16xf32, #tpu.memory_space<vmem_shared>>)
    %barrier3A_44 = arith.constant 0 : index
    tpu.barrier barrier_id(%barrier3A_44)
    %lt3A_45 = arith.constant 15 : i32
    %lt3A_46 = arith.cmpi slt, %arg1, %lt3A_45 : i32
    %convert_element_type3A_47 = arith.extui %lt3A_46 : i1 to i32
    %cond3A_48 = arith.constant 0 : i32
    %cond3A_49 = arith.cmpi ne, %convert_element_type3A_47, %cond3A_48 : i32
    scf.if %cond3A_49 {
      %mul3A_55 = arith.constant 624 : i32
      %mul3A_56 = arith.muli %arg1, %mul3A_55 : i32
      %mul3A_57 = arith.constant 624 : i32
      %mul3A_58 = arith.muli %arg1, %mul3A_57 : i32
      "tpu.region"() ({
        %run_scoped3A = tpu.sem_alloc : memref<!tpu.dma_semaphore, #tpu.memory_space<semaphore_mem>>
        %dma_start3A_59 = arith.constant 0 : i32
        %dma_start3A_60 = tpu.memref_slice %arg6[%arg0, %mul3A_58, %dma_start3A_59] : memref<2x10000x16xf32, #tpu.memory_space<hbm>> -> memref<1x624x16xf32, #tpu.memory_space<hbm>>
        %dma_start3A_61 = tpu.memref_squeeze %dma_start3A_60 : memref<1x624x16xf32, #tpu.memory_space<hbm>> -> memref<624x16xf32, #tpu.memory_space<hbm>>
        %dma_start3A_62 = arith.constant 0 : i32
        %dma_start3A_63 = tpu.memref_slice %arg7[%mul3A_56, %dma_start3A_62] : memref<10008x16xf32, #tpu.memory_space<vmem_shared>> -> memref<624x16xf32, #tpu.memory_space<vmem_shared>>
        tpu.enqueue_dma source(%dma_start3A_63 : memref<624x16xf32, #tpu.memory_space<vmem_shared>>) target(%dma_start3A_61 : memref<624x16xf32, #tpu.memory_space<hbm>>) target_semaphore(%run_scoped3A : memref<!tpu.dma_semaphore, #tpu.memory_space<semaphore_mem>>)
        %dma_wait3A_64 = arith.constant 0 : i32
        %dma_wait3A_65 = tpu.memref_slice %arg6[%arg0, %mul3A_58, %dma_wait3A_64] : memref<2x10000x16xf32, #tpu.memory_space<hbm>> -> memref<1x624x16xf32, #tpu.memory_space<hbm>>
        %dma_wait3A_66 = tpu.memref_squeeze %dma_wait3A_65 : memref<1x624x16xf32, #tpu.memory_space<hbm>> -> memref<624x16xf32, #tpu.memory_space<hbm>>
        %dma_wait3A_67 = arith.constant 0 : i32
        %dma_wait3A_68 = tpu.memref_slice %arg7[%mul3A_56, %dma_wait3A_67] : memref<10008x16xf32, #tpu.memory_space<vmem_shared>> -> memref<624x16xf32, #tpu.memory_space<vmem_shared>>
        tpu.wait_dma2 semaphore(%run_scoped3A : memref<!tpu.dma_semaphore, #tpu.memory_space<semaphore_mem>>) src(%dma_wait3A_68 : memref<624x16xf32, #tpu.memory_space<vmem_shared>>) dst(%dma_wait3A_66 : memref<624x16xf32, #tpu.memory_space<hbm>>)
        tpu.yield
      }) : () -> ()
    } else {
    }
    %eq3A_50 = arith.constant 15 : i32
    %eq3A_51 = arith.cmpi eq, %arg1, %eq3A_50 : i32
    %convert_element_type3A_52 = arith.extui %eq3A_51 : i1 to i32
    %cond3A_53 = arith.constant 0 : i32
    %cond3A_54 = arith.cmpi ne, %convert_element_type3A_52, %cond3A_53 : i32
    scf.if %cond3A_54 {
      "tpu.region"() ({
        %run_scoped3A = tpu.sem_alloc : memref<!tpu.dma_semaphore, #tpu.memory_space<semaphore_mem>>
        %dma_start3A_55 = arith.constant 9360 : i32
        %dma_start3A_56 = arith.constant 0 : i32
        %dma_start3A_57 = tpu.memref_slice %arg6[%arg0, %dma_start3A_55, %dma_start3A_56] : memref<2x10000x16xf32, #tpu.memory_space<hbm>> -> memref<1x640x16xf32, #tpu.memory_space<hbm>>
        %dma_start3A_58 = tpu.memref_squeeze %dma_start3A_57 : memref<1x640x16xf32, #tpu.memory_space<hbm>> -> memref<640x16xf32, #tpu.memory_space<hbm>>
        %dma_start3A_59 = arith.constant 9360 : i32
        %dma_start3A_60 = arith.constant 0 : i32
        %dma_start3A_61 = tpu.memref_slice %arg7[%dma_start3A_59, %dma_start3A_60] : memref<10008x16xf32, #tpu.memory_space<vmem_shared>> -> memref<640x16xf32, #tpu.memory_space<vmem_shared>>
        tpu.enqueue_dma source(%dma_start3A_61 : memref<640x16xf32, #tpu.memory_space<vmem_shared>>) target(%dma_start3A_58 : memref<640x16xf32, #tpu.memory_space<hbm>>) target_semaphore(%run_scoped3A : memref<!tpu.dma_semaphore, #tpu.memory_space<semaphore_mem>>)
        %dma_wait3A_62 = arith.constant 9360 : i32
        %dma_wait3A_63 = arith.constant 0 : i32
        %dma_wait3A_64 = tpu.memref_slice %arg6[%arg0, %dma_wait3A_62, %dma_wait3A_63] : memref<2x10000x16xf32, #tpu.memory_space<hbm>> -> memref<1x640x16xf32, #tpu.memory_space<hbm>>
        %dma_wait3A_65 = tpu.memref_squeeze %dma_wait3A_64 : memref<1x640x16xf32, #tpu.memory_space<hbm>> -> memref<640x16xf32, #tpu.memory_space<hbm>>
        %dma_wait3A_66 = arith.constant 9360 : i32
        %dma_wait3A_67 = arith.constant 0 : i32
        %dma_wait3A_68 = tpu.memref_slice %arg7[%dma_wait3A_66, %dma_wait3A_67] : memref<10008x16xf32, #tpu.memory_space<vmem_shared>> -> memref<640x16xf32, #tpu.memory_space<vmem_shared>>
        tpu.wait_dma2 semaphore(%run_scoped3A : memref<!tpu.dma_semaphore, #tpu.memory_space<semaphore_mem>>) src(%dma_wait3A_68 : memref<640x16xf32, #tpu.memory_space<vmem_shared>>) dst(%dma_wait3A_65 : memref<640x16xf32, #tpu.memory_space<hbm>>)
        tpu.yield
      }) : () -> ()
    } else {
    }
    return
  }
}

module attributes {stable_mosaic.version = 14 : i64} {
  func.func @_tc_a_body(%arg0: memref<10000x2xf32, #tpu.memory_space<vmem>>, %arg1: memref<10000x128xf32, #tpu.memory_space<vmem>>, %arg2: memref<128x64xf32, #tpu.memory_space<vmem>>, %arg3: memref<10000x64xf32, #tpu.memory_space<vmem>>, %arg4: memref<10000x1xf32, #tpu.memory_space<vmem>>) attributes {dimension_semantics = [], scalar_prefetch = 0 : i64, scratch_operands = 0 : i64, tpu.core_type = #tpu.core_type<tc>} {
    %get3A = arith.constant 0 : index
    %get3A_0 = arith.constant 0 : index
    %get3A_1 = vector.load %arg0[%get3A, %get3A_0] : memref<10000x2xf32, #tpu.memory_space<vmem>>, vector<10000x1xf32>
    %get3A_2 = arith.constant 0 : index
    %get3A_3 = arith.constant 1 : index
    %get3A_4 = vector.load %arg0[%get3A_2, %get3A_3] : memref<10000x2xf32, #tpu.memory_space<vmem>>, vector<10000x1xf32>
    %add3A = arith.addf %get3A_1, %get3A_4 : vector<10000x1xf32>
    %add3A_5 = arith.constant 1.000000e+00 : f32
    %add3A_6 = vector.broadcast %add3A_5 : f32 to vector<10000x1xf32>
    %add3A_7 = arith.addf %add3A, %add3A_6 : vector<10000x1xf32>
    %rsqrt3A = math.rsqrt %add3A_7 : vector<10000x1xf32>
    %get3A_8 = arith.constant 0 : index
    %get3A_9 = arith.constant 0 : index
    %get3A_10 = vector.load %arg1[%get3A_8, %get3A_9] : memref<10000x128xf32, #tpu.memory_space<vmem>>, vector<10000x128xf32>
    %get3A_11 = arith.constant 0 : index
    %get3A_12 = arith.constant 0 : index
    %get3A_13 = vector.load %arg2[%get3A_11, %get3A_12] : memref<128x64xf32, #tpu.memory_space<vmem>>, vector<128x64xf32>
    %dot_general3A = arith.constant dense<0.000000e+00> : vector<10000x64xf32>
    %dot_general3A_14 = tpu.matmul %get3A_10, %get3A_13, %dot_general3A {dimension_numbers = #tpu.dot_dimension_numbers<[1], [0], [0], [1], [0, 0, 1, 1], [], []>, transpose_lhs_hint = false} : vector<10000x128xf32>, vector<128x64xf32>, vector<10000x64xf32> -> vector<10000x64xf32>
    %mul3A = vector.broadcast %rsqrt3A : vector<10000x1xf32> to vector<10000x64xf32>
    %mul3A_15 = arith.mulf %dot_general3A_14, %mul3A : vector<10000x64xf32>
    %swap3A = arith.constant 0 : index
    %swap3A_16 = arith.constant 0 : index
    %swap3A_17 = vector.load %arg3[%swap3A, %swap3A_16] : memref<10000x64xf32, #tpu.memory_space<vmem>>, vector<10000x64xf32>
    tpu.vector_store %arg3[%swap3A, %swap3A_16], %mul3A_15 {strides = array<i32>} : memref<10000x64xf32, #tpu.memory_space<vmem>>, vector<10000x64xf32>,
    %swap3A_18 = arith.constant 0 : index
    %swap3A_19 = arith.constant 0 : index
    %swap3A_20 = vector.load %arg4[%swap3A_18, %swap3A_19] : memref<10000x1xf32, #tpu.memory_space<vmem>>, vector<10000x1xf32>
    tpu.vector_store %arg4[%swap3A_18, %swap3A_19], %rsqrt3A {strides = array<i32>} : memref<10000x1xf32, #tpu.memory_space<vmem>>, vector<10000x1xf32>,
    return
  }
}

module attributes {stable_mosaic.version = 14 : i64} {
  func.func @_tc_b_body(%arg0: memref<10000x64xf32, #tpu.memory_space<vmem>>, %arg1: memref<10000x64xf32, #tpu.memory_space<vmem>>, %arg2: memref<10000x64xf32, #tpu.memory_space<vmem>>, %arg3: memref<10000x1xf32, #tpu.memory_space<vmem>>, %arg4: memref<1x64xf32, #tpu.memory_space<vmem>>, %arg5: memref<64x16xf32, #tpu.memory_space<vmem>>, %arg6: memref<10000x16xf32, #tpu.memory_space<vmem>>) attributes {dimension_semantics = [], scalar_prefetch = 0 : i64, scratch_operands = 0 : i64, tpu.core_type = #tpu.core_type<tc>} {
    %get3A = arith.constant 0 : index
    %get3A_0 = arith.constant 0 : index
    %get3A_1 = vector.load %arg0[%get3A, %get3A_0] : memref<10000x64xf32, #tpu.memory_space<vmem>>, vector<10000x64xf32>
    %get3A_2 = arith.constant 0 : index
    %get3A_3 = arith.constant 0 : index
    %get3A_4 = vector.load %arg1[%get3A_2, %get3A_3] : memref<10000x64xf32, #tpu.memory_space<vmem>>, vector<10000x64xf32>
    %add3A = arith.addf %get3A_1, %get3A_4 : vector<10000x64xf32>
    %get3A_5 = arith.constant 0 : index
    %get3A_6 = arith.constant 0 : index
    %get3A_7 = vector.load %arg2[%get3A_5, %get3A_6] : memref<10000x64xf32, #tpu.memory_space<vmem>>, vector<10000x64xf32>
    %add3A_8 = arith.addf %add3A, %get3A_7 : vector<10000x64xf32>
    %get3A_9 = arith.constant 0 : index
    %get3A_10 = arith.constant 0 : index
    %get3A_11 = vector.load %arg3[%get3A_9, %get3A_10] : memref<10000x1xf32, #tpu.memory_space<vmem>>, vector<10000x1xf32>
    %mul3A = vector.broadcast %get3A_11 : vector<10000x1xf32> to vector<10000x64xf32>
    %mul3A_12 = arith.mulf %add3A_8, %mul3A : vector<10000x64xf32>
    %get3A_13 = arith.constant 0 : index
    %get3A_14 = arith.constant 0 : index
    %get3A_15 = vector.load %arg4[%get3A_13, %get3A_14] : memref<1x64xf32, #tpu.memory_space<vmem>>, vector<1x64xf32>
    %add3A_16 = vector.broadcast %get3A_15 : vector<1x64xf32> to vector<10000x64xf32>
    %add3A_17 = arith.addf %mul3A_12, %add3A_16 : vector<10000x64xf32>
    %max3A = arith.constant 0.000000e+00 : f32
    %max3A_18 = vector.broadcast %max3A : f32 to vector<10000x64xf32>
    %max3A_19 = arith.maximumf %add3A_17, %max3A_18 : vector<10000x64xf32>
    %get3A_20 = arith.constant 0 : index
    %get3A_21 = arith.constant 0 : index
    %get3A_22 = vector.load %arg5[%get3A_20, %get3A_21] : memref<64x16xf32, #tpu.memory_space<vmem>>, vector<64x16xf32>
    %dot_general3A = arith.constant dense<0.000000e+00> : vector<10000x16xf32>
    %dot_general3A_23 = tpu.matmul %max3A_19, %get3A_22, %dot_general3A {dimension_numbers = #tpu.dot_dimension_numbers<[1], [0], [0], [1], [0, 0, 1, 1], [], []>, transpose_lhs_hint = false} : vector<10000x64xf32>, vector<64x16xf32>, vector<10000x16xf32> -> vector<10000x16xf32>
    %get3A_24 = arith.constant 0 : index
    %get3A_25 = arith.constant 0 : index
    %get3A_26 = vector.load %arg3[%get3A_24, %get3A_25] : memref<10000x1xf32, #tpu.memory_space<vmem>>, vector<10000x1xf32>
    %mul3A_27 = vector.broadcast %get3A_26 : vector<10000x1xf32> to vector<10000x16xf32>
    %mul3A_28 = arith.mulf %dot_general3A_23, %mul3A_27 : vector<10000x16xf32>
    %swap3A = arith.constant 0 : index
    %swap3A_29 = arith.constant 0 : index
    %swap3A_30 = vector.load %arg6[%swap3A, %swap3A_29] : memref<10000x16xf32, #tpu.memory_space<vmem>>, vector<10000x16xf32>
    tpu.vector_store %arg6[%swap3A, %swap3A_29], %mul3A_28 {strides = array<i32>} : memref<10000x16xf32, #tpu.memory_space<vmem>>, vector<10000x16xf32>,
    return
  }
}

module attributes {stable_mosaic.version = 14 : i64} {
  func.func @_tc_c_body(%arg0: memref<10000x16xf32, #tpu.memory_space<vmem>>, %arg1: memref<10000x16xf32, #tpu.memory_space<vmem>>, %arg2: memref<10000x16xf32, #tpu.memory_space<vmem>>, %arg3: memref<10000x1xf32, #tpu.memory_space<vmem>>, %arg4: memref<1x16xf32, #tpu.memory_space<vmem>>, %arg5: memref<10000x16xf32, #tpu.memory_space<vmem>>) attributes {dimension_semantics = [], scalar_prefetch = 0 : i64, scratch_operands = 0 : i64, tpu.core_type = #tpu.core_type<tc>} {
    %get3A = arith.constant 0 : index
    %get3A_0 = arith.constant 0 : index
    %get3A_1 = vector.load %arg0[%get3A, %get3A_0] : memref<10000x16xf32, #tpu.memory_space<vmem>>, vector<10000x16xf32>
    %get3A_2 = arith.constant 0 : index
    %get3A_3 = arith.constant 0 : index
    %get3A_4 = vector.load %arg1[%get3A_2, %get3A_3] : memref<10000x16xf32, #tpu.memory_space<vmem>>, vector<10000x16xf32>
    %add3A = arith.addf %get3A_1, %get3A_4 : vector<10000x16xf32>
    %get3A_5 = arith.constant 0 : index
    %get3A_6 = arith.constant 0 : index
    %get3A_7 = vector.load %arg2[%get3A_5, %get3A_6] : memref<10000x16xf32, #tpu.memory_space<vmem>>, vector<10000x16xf32>
    %add3A_8 = arith.addf %add3A, %get3A_7 : vector<10000x16xf32>
    %get3A_9 = arith.constant 0 : index
    %get3A_10 = arith.constant 0 : index
    %get3A_11 = vector.load %arg3[%get3A_9, %get3A_10] : memref<10000x1xf32, #tpu.memory_space<vmem>>, vector<10000x1xf32>
    %mul3A = vector.broadcast %get3A_11 : vector<10000x1xf32> to vector<10000x16xf32>
    %mul3A_12 = arith.mulf %add3A_8, %mul3A : vector<10000x16xf32>
    %get3A_13 = arith.constant 0 : index
    %get3A_14 = arith.constant 0 : index
    %get3A_15 = vector.load %arg4[%get3A_13, %get3A_14] : memref<1x16xf32, #tpu.memory_space<vmem>>, vector<1x16xf32>
    %add3A_16 = vector.broadcast %get3A_15 : vector<1x16xf32> to vector<10000x16xf32>
    %add3A_17 = arith.addf %mul3A_12, %add3A_16 : vector<10000x16xf32>
    %iota3A = tpu.iota {dimensions = array<i32: 1>} : vector<10000x16xi32>
    %lt3A = arith.constant 3 : i32
    %lt3A_18 = vector.broadcast %lt3A : i32 to vector<10000x16xi32>
    %lt3A_19 = arith.cmpi slt, %iota3A, %lt3A_18 : vector<10000x16xi32>
    %jit3A = arith.constant 0xFF800000 : f32
    %broadcast_in_dim3A = vector.broadcast %jit3A : f32 to vector<10000x16xf32>
    %select_n3A = arith.select %lt3A_19, %add3A_17, %broadcast_in_dim3A : vector<10000x16xi1>, vector<10000x16xf32>
    %reduce_max3A = arith.constant dense<0xFF800000> : vector<10000xf32>
    %reduce_max3A_20 = vector.multi_reduction <maximumf>, %select_n3A, %reduce_max3A [1] : vector<10000x16xf32> to vector<10000xf32>
    %broadcast_in_dim3A_21 = vector.shape_cast %reduce_max3A_20 : vector<10000xf32> to vector<10000x1xf32>
    %sub3A = vector.broadcast %broadcast_in_dim3A_21 : vector<10000x1xf32> to vector<10000x16xf32>
    %sub3A_22 = arith.subf %add3A_17, %sub3A : vector<10000x16xf32>
    %exp3A = math.exp %sub3A_22 : vector<10000x16xf32>
    %jit3A_23 = arith.constant 0.000000e+00 : f32
    %broadcast_in_dim3A_24 = vector.broadcast %jit3A_23 : f32 to vector<10000x16xf32>
    %select_n3A_25 = arith.select %lt3A_19, %exp3A, %broadcast_in_dim3A_24 : vector<10000x16xi1>, vector<10000x16xf32>
    %reduce_sum3A = arith.constant dense<0.000000e+00> : vector<10000xf32>
    %reduce_sum3A_26 = vector.multi_reduction <add>, %select_n3A_25, %reduce_sum3A [1] : vector<10000x16xf32> to vector<10000xf32>
    %broadcast_in_dim3A_27 = vector.shape_cast %reduce_sum3A_26 : vector<10000xf32> to vector<10000x1xf32>
    %sub3A_28 = vector.broadcast %broadcast_in_dim3A_21 : vector<10000x1xf32> to vector<10000x16xf32>
    %sub3A_29 = arith.subf %add3A_17, %sub3A_28 : vector<10000x16xf32>
    %log3A = math.log %broadcast_in_dim3A_27 : vector<10000x1xf32>
    %sub3A_30 = vector.broadcast %log3A : vector<10000x1xf32> to vector<10000x16xf32>
    %sub3A_31 = arith.subf %sub3A_29, %sub3A_30 : vector<10000x16xf32>
    %swap3A = arith.constant 0 : index
    %swap3A_32 = arith.constant 0 : index
    %swap3A_33 = vector.load %arg5[%swap3A, %swap3A_32] : memref<10000x16xf32, #tpu.memory_space<vmem>>, vector<10000x16xf32>
    tpu.vector_store %arg5[%swap3A, %swap3A_32], %sub3A_31 {strides = array<i32>} : memref<10000x16xf32, #tpu.memory_space<vmem>>, vector<10000x16xf32>,
    return
  }
}

</mosaic_0001>

<sc_bundles>
// kernel: kernel.11.cloned.1.call-start
scs
__scs_entry_jumppad:
0x0: {  	(pc) =	sbr.rel $0x88, $3  }
0x1: {  	(tag) =	ssettag $0x0;
	lr =	simm.s32 $0x1  }
0x2: {  	[smem:$0x3F9B] =	sst lr;
	_ =	strace $0xD0000000  }
0x3: {  	_ = 	snop  }
0x4: {  	_ = 	snop  }
0x5: {  	_ = 	snop  }
0x6: {  	_ = 	snop  }
0x7: {  	_ = 	snop  }
__scs_overlays_trampoline_lowered:
0x8: {  	[smem:$0x3FAA] =	sst s0  }
0x9: {  	[smem:$0x3FAB] =	sst s1  }
0xa: {  	[smem:$0x3FAC] =	sst s2  }
0xb: {  	[smem:$0x3FAD] =	sst s3  }
0xc: {  	[smem:$0x3FAE] =	sst s4  }
0xd: {  	[smem:$0x3FAF] =	sst s5  }
0xe: {  	[smem:$0x3FB0] =	sst s6  }
0xf: {  	[smem:$0x3FB1] =	sst s7  }
0x10: {  	[smem:$0x3FB2] =	sst s8  }
0x11: {  	[smem:$0x3FB3] =	sst s9;
	s0 =	simm.s32 @!p0 $0x0  }
0x12: {  	s1 =	sld [smem:$0x3F99];
	s0 =	simm.s32 @p0 $0x1  }
0x13: {  	[smem:$0x3FB4] =	sst s0;
	s0 =	simm.s32 @!p1 $0x0  }
0x14: {  	s2 =	sld [smem:$0x3F98];
	s0 =	simm.s32 @p1 $0x1  }
0x15: {  	[smem:$0x3FB5] =	sst s0;
	s0 =	simm.s32 @!p2 $0x0  }
0x16: {  	s3 =	sld [smem:$0x3FDB];
	s0 =	simm.s32 @p2 $0x1  }
0x17: {  	s4 =	simm.s32 $0x1BF5;
	[smem:$0x3FB7] =	sst s0  }
0x18: {  	s0 =	sld [smem:$0x3F9A];
	_ =	swait.ge [sflag:s4], $0x0  }
0x19: {  	s7 =	sld [smem:$0x3F9B]  }
0x1a: {  	s8 =	sadd.s32 $0xFFFFE003, lr  }
0x1b: {  	s9 =	sadd.s32 $0xFFFFFEF7, lr;
	s5 =	simm.s32 $0xFFFFFFFF;
	p2 =	slt.u32 s8, $0xFFFFF086  }
0x1c: {  	p1 =	slt.u32 s9, $0xF7A;
	s5 =	simm.s32 @!p2 $0x0  }
0x1d: {  	s5 =	simm.s32 @p1 $0x1;
	p0 =	seq.s32 s7, s2  }
0x1e: {  	s7 =	smul.u32 @!p0 $0xF7A, s2;
	p2 =	seq.s32 @!p0 s5, $0x0  }
0x1f: {  	s9 =	smul.u32 $0xF7A, s1;
	s8 =	simm.s32 @!p0 $0x1BF5;
	p2 =	por !p2, p0  }
0x20: {  	[sflag:s8] =	ssyncset.s32 @!p0 $0xFFFFF086;
	s6 =	sadd.s32 @!p0 s3, s7;
	s7 =	simm.s32 @!p0 $0x108  }
0x21: {  	s3 =	sadd.s32 s3, s9;
	s6 =	sadd.s32 @!p0 $0x88, s6;
	s7 =	simm.s32 @p2 $0x1082  }
0x22: {  	[simem:s7], [sflag:s8] =	dma.local @!p0 [hbm:s6], $0xF7A  }
0x23: {  	s9 =	sor.u32 $0xD0000000, s2;
	s6 =	simm.s32 $0x108;
	_ =	swait.ge @!p0 [sflag:s8], $0x0  }
0x24: {  	s3 =	sadd.s32 $0x88, s3;
	s6 =	simm.s32 @!p1 $0x1082;
	[sflag:s4] =	ssyncset.s32 $0xFFFFF086  }
0x25: {  	[simem:s6], [sflag:s4] =	dma.local [hbm:s3], $0xF7A  }
0x26: {  	[smem:$0x3F9B] =	sst s1;
	(tag) =	ssettag s2;
	_ =	strace s9  }
0x27: {  	s1 =	sld [smem:$0x3FAB]  }
0x28: {  	s2 =	sld [smem:$0x3FAC]  }
0x29: {  	s4 =	sld [smem:$0x3FAE]  }
0x2a: {  	p0 =	seq.s32 s5, $0x0;
	s5 =	sld [smem:$0x3FAF]  }
0x2b: {  	s6 =	sld [smem:$0x3FB0]  }
0x2c: {  	s7 =	sld [smem:$0x3FB1]  }
0x2d: {  	s3 =	simm.s32 $0x108;
	s8 =	sld [smem:$0x3FB2]  }
0x2e: {  	s3 =	simm.s32 @!p0 $0x1082;
	s9 =	sld [smem:$0x3FB3]  }
0x2f: {  	lr =	sadd.s32 s0, s3;
	s0 =	sld [smem:$0x3FAA]  }
0x30: {  	s3 =	sld [smem:$0x3FAD]  }
0x31: {  	[smem:$0x3FB6] =	sst s10  }
0x32: {  	s10 =	sld [smem:$0x3FB4];
	_ =	sdelay $0x3  }
0x33: {  	p0 =	seq.s32 s10, $0x1;
	s10 =	sld [smem:$0x3FB6];
	_ =	sdelay $0x3  }
0x34: {  	[smem:$0x3FB6] =	sst s10  }
0x35: {  	s10 =	sld [smem:$0x3FB5];
	_ =	sdelay $0x3  }
0x36: {  	p1 =	seq.s32 s10, $0x1;
	s10 =	sld [smem:$0x3FB6];
	_ =	sdelay $0x3  }
0x37: {  	[smem:$0x3FB6] =	sst s10  }
0x38: {  	s10 =	sld [smem:$0x3FB7]  }
0x39: {  	_ = 	snop;
	(pc) =	sbr.ind lr, $3  }
0x3a: {  	_ = 	snop  }
0x3b: {  	_ = 	snop  }
0x3c: {  	p2 =	seq.s32 s10, $0x1;
	s10 =	sld [smem:$0x3FB6]  }
0x3d: {  	_ =	shalt  }
0x3e: {  	_ =	shalt  }
0x3f: {  	_ =	shalt  }
0x40: {  	_ =	shalt  }
0x41: {  	_ =	shalt  }
0x42: {  	_ =	shalt  }
0x43: {  	_ =	shalt  }
0x44: {  	_ =	shalt  }
0x45: {  	_ =	shalt  }
0x46: {  	_ =	shalt  }
0x47: {  	_ =	shalt  }
0x48: {  	_ =	shalt  }
0x49: {  	_ =	shalt  }
0x4a: {  	_ =	shalt  }
0x4b: {  	_ =	shalt  }
0x4c: {  	_ =	shalt  }
0x4d: {  	_ =	shalt  }
0x4e: {  	_ =	shalt  }
0x4f: {  	_ =	shalt  }
0x50: {  	_ =	shalt  }
0x51: {  	_ =	shalt  }
0x52: {  	_ =	shalt  }
0x53: {  	_ =	shalt  }
0x54: {  	_ =	shalt  }
0x55: {  	_ =	shalt  }
0x56: {  	_ =	shalt  }
0x57: {  	_ =	shalt  }
0x58: {  	_ =	shalt  }
0x59: {  	_ =	shalt  }
0x5a: {  	_ =	shalt  }
0x5b: {  	_ =	shalt  }
0x5c: {  	_ =	shalt  }
0x5d: {  	_ =	shalt  }
0x5e: {  	_ =	shalt  }
0x5f: {  	_ =	shalt  }
0x60: {  	_ =	shalt  }
0x61: {  	_ =	shalt  }
0x62: {  	_ =	shalt  }
0x63: {  	_ =	shalt  }
0x64: {  	_ =	shalt  }
0x65: {  	_ =	shalt  }
0x66: {  	_ =	shalt  }
0x67: {  	_ =	shalt  }
0x68: {  	_ =	shalt  }
0x69: {  	_ =	shalt  }
0x6a: {  	_ =	shalt  }
0x6b: {  	_ =	shalt  }
0x6c: {  	_ =	shalt  }
0x6d: {  	_ =	shalt  }
0x6e: {  	_ =	shalt  }
0x6f: {  	_ =	shalt  }
0x70: {  	_ =	shalt  }
0x71: {  	_ =	shalt  }
0x72: {  	_ =	shalt  }
0x73: {  	_ =	shalt  }
0x74: {  	_ =	shalt  }
0x75: {  	_ =	shalt  }
0x76: {  	_ =	shalt  }
0x77: {  	_ =	shalt  }
0x78: {  	_ =	shalt  }
0x79: {  	_ =	shalt  }
0x7a: {  	_ =	shalt  }
0x7b: {  	_ =	shalt  }
0x7c: {  	_ =	shalt  }
0x7d: {  	_ =	shalt  }
0x7e: {  	_ =	shalt  }
0x7f: {  	_ =	shalt  }
0x80: {  	_ =	shalt  }
0x81: {  	_ =	shalt  }
0x82: {  	_ =	shalt  }
0x83: {  	_ =	shalt  }
0x84: {  	_ =	shalt  }
0x85: {  	_ =	shalt  }
0x86: {  	_ =	shalt  }
0x87: {  	_ =	shalt  }
.Lfunc_end0:
.L_simem_size_0:
called_computation.1_lowered:
.L_overlay_start_0:
0x88: {  	s2 =	sld [smem:$0x3FD9]  }
0x89: {  	s3 =	sld [smem:$0x3FFE];
	_ =	sdelay $0x1  }
0x8a: {  	s1 =	srdreg.scid  }
0x8b: {  	s0 =	sand.u32 $0x1, s1  }
0x8c: {  	s16 =	sshll.u32 s0, $0xA;
	s2 =	sadd.s32 s3, s2  }
0x8d: {  	s2 =	sadd.s32 s2, s16  }
0x8e: {  	[smem:$0x3FC2] =	sst s2  }
0x8f: {  	_ = 	snop  }
0x90: {  	(tm) =	ssettm $0x1  }
0x91: {  	s17 =	sld [smem:$0x3FFB];
	_ =	sdelay $0x3  }
0x92: {  	_ =	strace s17  }
0x93: {  	s2 =	sld [smem:$0x3FFC];
	_ =	sdelay $0x3  }
0x94: {  	_ =	strace s2  }
0x95: {  	s2 =	sld [smem:$0x3FFD];
	_ =	sdelay $0x3  }
0x96: {  	_ =	strace s2  }
0x97: {  	_ =	strace $0x8FFFFFFF  }
0x98: {  	s18 =	sld [smem:$0x3FDB];
	_ =	sdelay $0x1  }
0x99: {  	s19 =	simm.s32 $_scs_section_size  }
0x9a: {  	s4 =	simm.s32 $_size__tile_overlayer_lowered;
	s5 =	simm.s32 $_tile_overlayer_lowered  }
0x9b: {  	s22 =	simm.s32 $0x1BFF;
	s21 =	sshll.u32 s5, $0x1;
	s2 =	sadd.s32 s19, s18  }
0x9c: {  	s6 =	simm.s32 $0x0;
	s20 =	sshll.u32 s4, $0x1;
	s4 =	sadd.s32 s21, s2  }
0x9d: {  	[timem:s6], [sflag:s22] =	dma.local [hbm:s4], s20  }
0x9e: {  	_ =	swait.ge [sflag:s22], s20  }
0x9f: {  	s3 =	ssub.s32 $0x0, s20;
	[sflag:s22] =	ssyncset.done $0x0  }
0xa0: {  	[sflag:s22] =	ssyncadd.s32 s3;
	_ =	sdelay $0x1  }
0xa1: {  	s23 =	simm.s32 $0x1B8B  }
0xa2: {  	_ =	swait.ge [sflag:s23], $0x1  }
0xa3: {  	[sflag:s23] =	ssyncset.done $0x0  }
0xa4: {  	s25 =	simm.s32 $0x1B8E;
	s24 =	sld [smem:$0x3FFE];
	[sflag:s23] =	ssyncadd.s32 $0xFFFFFFFF  }
0xa5: {  	s26 =	simm.s32 $execute0_lowered;
	[smem:$0x3FD2] =	sst s25  }
0xa6: {  	s4 =	sshll.u32 s26, $0x1;
	_ =	strace $0x80000049;
	[dreg:$0x1] =	wrdreg $0xFFFFFFFF  }
0xa7: {  	s28 =	simm.s32 $_size_execute0_lowered;
	s2 =	sadd.s32 s2, s4;
	[dreg:$0x0] =	wrdreg $0x0  }
0xa8: {  	s4 =	sshll.u32 s28, $0x1;
	[dreg:$0x2] =	wrdreg s2  }
0xa9: {  	[dreg:$0x3] =	wrdreg s4  }
0xaa: {  	[dreg:$0x4] =	wrdreg $0xC0  }
0xab: {  	_ =	task [dreg:s6], $0x5FFFF  }
0xac: {  	[dreg:$0x1] =	wrdreg $0xFFFFFFFF  }
0xad: {  	[dreg:$0x0] =	wrdreg $0x60  }
0xae: {  	[dreg:$0x2] =	wrdreg s24  }
0xaf: {  	[dreg:$0x3] =	wrdreg $0x0  }
0xb0: {  	[dreg:$0x4] =	wrdreg $0x9C600  }
0xb1: {  	[dreg:$0x5] =	wrdreg $0x9  }
0xb2: {  	_ =	task.clear_ibuf [dreg:s6], $0x6FFFF;
	_ =	strace $0x90000049  }
0xb3: {  	s29 =	simm.s32 $0x9;
	_ =	strace $0x8000004B  }
0xb4: {  	_ =	swait.ge [sflag:s29], $0x1  }
0xb5: {  	[sflag:s29] =	ssyncadd.s32 $0xFFFFFFFF  }
0xb6: {  	_ =	strace $0x9000004B  }
0xb7: {  	_ =	sfence  }
0xb8: {  	s30 =	sld [smem:$0x0];
	_ =	sdelay $0x2  }
0xb9: {  	s31 =	sshll.u32 s1, $0xD;
	s1 =	sshrl.u32 s1, $0x2  }
0xba: {  	s3 =	sand.u32 $0x4000, s31;
	s1 =	sadd.s32 s1, s30  }
0xbb: {  	s0 =	sor.u32 s3, s0;
	s1 =	sshll.u32 s1, $0x11  }
0xbc: {  	s0 =	sor.u32 s1, s0  }
0xbd: {  	s0 =	sadd.s32 $0x8F2B, s0  }
0xbe: {  	[sflag:s0] =	ssyncadd.remote.s32 $0x1  }
0xbf: {  	_ =	sfence.sel $0xFFFF  }
0xc0: {  	[dreg:$0x0] =	wrdreg $0xFFFFFFFF;
	(pc) =	sbr.abs _section_cstart, $3  }
0xc1: {  	[dreg:$0x1] =	wrdreg $0xFFFFFFFF  }
0xc2: {  	_ =	task.clear_ibuf [dreg:s6], $0x2FFFF;
	_ =	strace $0x9FFFFFFF  }
0xc3: {  	(tm) =	ssettm $0x7FFFFFFF  }
tec
execute0_lowered:
.L_overlay_start_1:
0x0: {  	(tag) =	ssettag $0x1  }
0x1: {  	s0 =	rddreg [dreg:$0x0]  }
0x2: {  	s2 =	rddreg [dreg:$0x1]  }
0x3: {  	s3 =	rddreg [dreg:$0x2]  }
0x4: {  	s4 =	simm.s32 $0x0;
	s15 =	stileid.u32;
	s7 =	srdreg.scid  }
0x5: {  	s28 =	simm.s32 $0x13920;
	s29 =	simm.s32 $0x13AA0;
	s30 =	simm.s32 $0x1  }
0x6: {  	s31 =	simm.s32 $0x80;
	[smem:$0x7FF] =	sst s4;
	s1 =	smul.u32 $0x2700, s15  }
0x7: {  	s5 =	sadd.s32 $0x67600, s0;
	s6 =	sadd.s32 $0x5D400, s0;
	s7 =	sand.u32 $0x1, s7  }
0x8: {  	s8 =	sadd.s32 $0x51000, s0;
	s9 =	smul.u32 $0x4E000, s15;
	s10 =	sadd.s32 $0x71800, s0  }
0x9: {  	s16 =	sadd.s32 $0x124800, s2;
	s22 =	smul.u32 $0x2880, s15;
	p0 =	seq.s32 s15, $0xF  }
0xa: {  	_ =	strace $0x8000004A;
	[dreg:$0x4] =	wrdreg s8;
	s26 =	ssub.s32 $0x2, s7  }
0xb: {  	s12 =	sshll.u32 s7, $0x4;
	[dreg:$0x7] =	wrdreg s16;
	s17 =	smul.u32 $0x138800, s7  }
0xc: {  	s19 =	smul.u32 $0x28800, s7;
	s1 =	sadd.s32 s1, s0;
	s11 =	sshrl.u32 s26, $0x1  }
0xd: {  	s13 =	sor.u32 s15, s12;
	s9 =	sshrl.u32 s9, $0x2;
	s12 =	sadd.s32 $0x124800, s3  }
0xe: {  	s0 =	sadd.s32 $0x27500, s0;
	s8 =	ssub.s32 s26, s11;
	s11 =	smul.u32 $0x2880, s13  }
0xf: {  	s14 =	sadd.s32 s9, s2;
	s1 =	sadd.s32 $0x2C00, s1;
	[dreg:$0x8] =	wrdreg s0  }
0x10: {  	s0 =	sadd.s32 s22, s19;
	s22 =	simm.s32 $0x0;
	[dreg:$0x5] =	wrdreg s14  }
0x11: {  	[dreg:$0x6] =	wrdreg s1;
	s1 =	sadd.s32 s9, s3;
	s14 =	smul.u32 $0x13800, s15  }
0x12: {  	s9 =	sshrl.u32 s17, $0x3;
	s24 =	sadd.s32 $0x200, s0;
	s8 =	smax.u32 s8, $0x1  }
0x13: {  	s0 =	sadd.s32 $0x180, s0;
	s15 =	simm.s32 $0x1BBA0;
	s13 =	sshrl.u32 s11, $0x3  }
0x14: {  	s9 =	sadd.s32 s10, s9;
	s26 =	sshrl.u32 s24, $0x3;
	[dreg:$0xf] =	wrdreg s8  }
0x15: {  	[dreg:$0x10] =	wrdreg s0;
	s0 =	sshrl.u32 @p0 s12, $0x3;
	s8 =	simm.s32 $0x13B20  }
0x16: {  	s12 =	simm.s32 $0x7;
	s18 =	sadd.s32 s5, s13;
	s20 =	sadd.s32 s6, s13  }
0x17: {  	s21 =	sadd.s32 $0x10, s13;
	s23 =	sadd.s32 s14, s17;
	s25 =	sadd.s32 $0x24900, s9  }
0x18: {  	[dreg:$0x11] =	wrdreg s0;
	s0 =	sshrl.u32 @!p0 s1, $0x3;
	s1 =	simm.s32 $0x139A0  }
0x19: {  	s9 =	simm.s32 $0x4;
	s13 =	simm.s32 $0x5;
	[dreg:$0x9] =	wrdreg s18  }
0x1a: {  	s14 =	simm.s32 $0x3;
	s17 =	simm.s32 $0x8;
	[dreg:$0xa] =	wrdreg s20  }
0x1b: {  	s16 =	sadd.s32 s5, s21;
	s7 =	sadd.s32 s6, s21;
	[dreg:$0xe] =	wrdreg s25  }
.Ltmp0:
0x1c: {  	s20 =	sadd.s32 s26, s6;
	s21 =	sadd.s32 s26, s5;
	(pc) =	sbr.rel .LBB2_1-.Ltmp0, $4  }
0x1d: {  	[dreg:$0x12] =	wrdreg s0;
	s0 =	simm.s32 $0x13BA0;
	s18 =	simm.s32 $0x6  }
0x1e: {  	s26 =	simm.s32 $0x138A0;
	[dreg:$0xc] =	wrdreg s7;
	s7 =	sshrl.u32 s23, $0x3  }
0x1f: {  	[dreg:$0xb] =	wrdreg s16;
	s16 =	sadd.s32 $0x100, s11;
	s7 =	sadd.s32 s10, s7  }
0x20: {  	s11 =	simm.s32 $0x17BA0;
	s10 =	simm.s32 $0x2;
	[dreg:$0xd] =	wrdreg s7  }
.LBB2_4:
0x21: {  	_ =	swait.ge [sflag:s18], $0x2000  }
0x22: {  	[sflag:s18] =	ssyncset.done $0x0  }
0x23: {  	s7 =	simm.s32 $0x9;
	[sflag:s18] =	ssyncadd.s32 $0xFFFFE000  }
0x24: {  	[spmem:s2] =	stream.indirect.scatter.add.f32 [tilespmem:s15], [sflag:$0x9], $0x40, s8, s31, $0xb8;
	[tilespmem:$0x1FBA0] =	vst v63  }
0x25: {  	_ =	swait.ge [sflag:s7], $0x2000  }
0x26: {  	[sflag:s7] =	ssyncset.done $0x0  }
0x27: {  	[sflag:s7] =	ssyncadd.s32 $0xFFFFE000  }
0x28: {  	[bflag:$0x0] =	sbarrier.arrive $0xFFFF  }
0x29: {  	s19 =	rddreg [dreg:$0xe]  }
0x2a: {  	s7 =	simm.s32 @p0 $0x1FCA;
	s22 =	rddreg [dreg:$0x14]  }
0x2b: {  	[hbm:s19], [sflag:s7] =	dma.local @p0 [spmem:s22], $0x2800  }
0x2c: {  	s7 =	simm.s32 @p0 $0xA  }
0x2d: {  	_ =	swait.ge @p0 [sflag:s7], $0x2800  }
0x2e: {  	s19 =	rddreg [dreg:$0x15]  }
0x2f: {  	[sflag:s7] =	ssyncset.done @p0 $0x0;
	s22 =	rddreg [dreg:$0x16]  }
0x30: {  	[sflag:s7] =	ssyncadd.s32 @p0 $0xFFFFD800;
	s7 =	rddreg [dreg:$0xd]  }
0x31: {  	[hbm:s7], [sflag:s19] =	dma.local @!p0 [spmem:s22], $0x2700  }
0x32: {  	s7 =	simm.s32 @!p0 $0xA  }
0x33: {  	_ =	swait.ge @!p0 [sflag:s7], $0x2700  }
0x34: {  	s24 =	rddreg [dreg:$0x13]  }
0x35: {  	s25 =	rddreg [dreg:$0xf];
	s22 =	sadd.s32 $0x1, s24  }
0x36: {  	p1 =	sne.s32 s22, s25  }
.Ltmp1:
0x37: {  	_ = 	snop;
	(pc) =	sbr.rel @!p1 .LBB2_5-.Ltmp1, $3  }
0x38: {  	_ =	sdelay $0x1  }
0x39: {  	[sflag:s7] =	ssyncset.done @!p0 $0x0  }
0x3a: {  	[sflag:s7] =	ssyncadd.s32 @!p0 $0xFFFFD900  }
.LBB2_1:
0x3b: {  	[dreg:$0x13] =	wrdreg s22  }
0x3c: {  	s7 =	rddreg [dreg:$0x7]  }
0x3d: {  	s22 =	rddreg [dreg:$0x4];
	s19 =	sshrl.u32 @p0 s7, $0x3  }
0x3e: {  	s7 =	simm.s32 @p0 $0x1FCA;
	[dreg:$0x14] =	wrdreg s19  }
0x3f: {  	[spmem:s19], [sflag:s7] =	dma.local @p0 [hbm:s22], $0x2880  }
0x40: {  	s19 =	simm.s32 @p0 $0xA  }
0x41: {  	_ =	swait.ge @p0 [sflag:s19], $0x2880  }
0x42: {  	[sflag:s19] =	ssyncset.done @p0 $0x0;
	s23 =	rddreg [dreg:$0x8]  }
0x43: {  	s24 =	rddreg [dreg:$0x11];
	[sflag:s19] =	ssyncadd.s32 @p0 $0xFFFFD780  }
0x44: {  	[spmem:s24], [sflag:s7] =	dma.local @p0 [hbm:s23], $0x2800  }
0x45: {  	s7 =	stileid.u32  }
0x46: {  	_ =	swait.ge @p0 [sflag:s19], $0x2800;
	s7 =	sshll.u32 @!p0 s7, $0x6  }
0x47: {  	s23 =	sor.u32 @!p0 $0x1C0A, s7;
	s7 =	rddreg [dreg:$0x5]  }
0x48: {  	[sflag:s19] =	ssyncset.done @p0 $0x0;
	s7 =	sshrl.u32 @!p0 s7, $0x3  }
0x49: {  	[sflag:s19] =	ssyncadd.s32 @p0 $0xFFFFD800;
	s19 =	simm.s32 @!p0 $0xA;
	[dreg:$0x16] =	wrdreg s7  }
0x4a: {  	[spmem:s7], [sflag:s23] =	dma.local @!p0 [hbm:s22], $0x2700  }
0x4b: {  	_ =	swait.ge @!p0 [sflag:s19], $0x2700;
	[dreg:$0x15] =	wrdreg s23  }
0x4c: {  	[sflag:s19] =	ssyncset.done @!p0 $0x0;
	s7 =	rddreg [dreg:$0x6]  }
0x4d: {  	s22 =	rddreg [dreg:$0x12];
	[sflag:s19] =	ssyncadd.s32 @!p0 $0xFFFFD900  }
0x4e: {  	[spmem:s22], [sflag:s23] =	dma.local @!p0 [hbm:s7], $0x2700  }
0x4f: {  	_ =	swait.ge @!p0 [sflag:s19], $0x2700  }
0x50: {  	[sflag:s19] =	ssyncset.done @!p0 $0x0  }
0x51: {  	[sflag:s19] =	ssyncadd.s32 @!p0 $0xFFFFD900  }
0x52: {  	[bflag:$0x0] =	sbarrier.arrive $0xFFFF  }
0x53: {  	s19 =	simm.s32 $0x138A0;
	s25 =	rddreg [dreg:$0x9]  }
0x54: {  	[tilespmem:s19], [sflag:$0x1] =	stream.linear.gather [hbm4b:s25+s4], $0x80, $0x38;
	[tilespmem:$0x1FBA0] =	vst v63  }
0x55: {  	s23 =	simm.s32 $0x13A20;
	s22 =	rddreg [dreg:$0xa]  }
0x56: {  	[tilespmem:s23], [sflag:$0x1] =	stream.linear.gather [hbm4b:s22+s4], $0x80, $0x38;
	[tilespmem:$0x1FBA0] =	vst v63  }
0x57: {  	s24 =	rddreg [dreg:$0xb]  }
0x58: {  	[tilespmem:s28], [sflag:$0x2] =	stream.linear.gather [hbm4b:s24+s4], $0x80, $0x38;
	[tilespmem:$0x1FBA0] =	vst v63  }
0x59: {  	s25 =	rddreg [dreg:$0xc]  }
0x5a: {  	[tilespmem:s29], [sflag:$0x2] =	stream.linear.gather [hbm4b:s25+s4], $0x80, $0x38;
	[tilespmem:$0x1FBA0] =	vst v63  }
0x5b: {  	_ =	swait.ge [sflag:s30], $0x80  }
0x5c: {  	[sflag:s30] =	ssyncset.done $0x0  }
0x5d: {  	[sflag:s30] =	ssyncadd.s32 $0xFFFFFF80  }
0x5e: {  	_ =	swait.ge [sflag:s30], $0x80  }
0x5f: {  	[sflag:s30] =	ssyncset.done $0x0  }
0x60: {  	[sflag:s30] =	ssyncadd.s32 $0xFFFFFF80  }
0x61: {  	[tilespmem:s0], [sflag:$0x4] =	stream.indirect.gather [spmem:s3], $0x40, s19, s31, $0xb8;
	[tilespmem:$0x1FBA0] =	vst v63  }
0x62: {  	s22 =	simm.s32 $0x0;
	s19 =	rddreg [dreg:$0x10]  }
.LBB2_2:
0x63: {  	p1 =	seq.s32 s22, $0x0  }
0x64: {  	s7 =	simm.s32 @!p1 $0x9;
	s24 =	sadd.s32 @!p1 $0xFFFFFF80, s19  }
0x65: {  	_ =	swait.ge @!p1 [sflag:s7], $0x2000;
	s24 =	smov.u32 @p1 s16  }
0x66: {  	[sflag:s7] =	ssyncset.done @!p1 $0x0;
	s24 =	sshrl.u32 s24, $0x3  }
0x67: {  	[sflag:s7] =	ssyncadd.s32 @!p1 $0xFFFFE000;
	s23 =	sadd.s32 s5, s24  }
0x68: {  	[tilespmem:s1], [sflag:$0x3] =	stream.linear.gather [hbm4b:s23+s4], $0x80, $0x38;
	[tilespmem:$0x1FBA0] =	vst v63  }
0x69: {  	s24 =	sadd.s32 s6, s24  }
0x6a: {  	[tilespmem:s8], [sflag:$0x3] =	stream.linear.gather [hbm4b:s24+s4], $0x80, $0x38;
	[tilespmem:$0x1FBA0] =	vst v63  }
0x6b: {  	_ =	swait.ge [sflag:s9], $0x2000  }
0x6c: {  	[sflag:s9] =	ssyncset.done $0x0  }
0x6d: {  	[sflag:s9] =	ssyncadd.s32 $0xFFFFE000  }
0x6e: {  	_ =	swait.ge [sflag:s10], $0x80  }
0x6f: {  	[sflag:s10] =	ssyncset.done $0x0  }
0x70: {  	[sflag:s10] =	ssyncadd.s32 $0xFFFFFF80  }
0x71: {  	_ =	swait.ge [sflag:s10], $0x80  }
0x72: {  	[sflag:s10] =	ssyncset.done $0x0  }
0x73: {  	[sflag:s10] =	ssyncadd.s32 $0xFFFFFF80  }
0x74: {  	[tilespmem:s11], [sflag:$0x5] =	stream.indirect.gather [spmem:s3], $0x40, s28, s31, $0xb8;
	[tilespmem:$0x1FBA0] =	vst v63  }
0x75: {  	s25 =	simm.s32 $0x13A20  }
0x76: {  	[spmem:s2] =	stream.indirect.scatter.add.f32 [tilespmem:s0], [sflag:$0x7], $0x40, s25, s31, $0xb8;
	[tilespmem:$0x1FBA0] =	vst v63  }
0x77: {  	p1 =	seq.s32 s22, $0x4E0;
	_ =	swait.ge [sflag:s12], $0x2000  }
0x78: {  	s7 =	sshrl.u32 @!p1 s19, $0x3;
	s23 =	simm.s32 @!p1 $0x0;
	[sflag:s12] =	ssyncset.done $0x0  }
0x79: {  	s24 =	sadd.s32 @!p1 s5, s7;
	s25 =	simm.s32 @!p1 $0x138A0;
	[sflag:s12] =	ssyncadd.s32 $0xFFFFE000  }
0x7a: {  	[tilespmem:s25], [sflag:$0x1] =	stream.linear.gather @!p1 [hbm4b:s24+s23], $0x80, $0x38;
	[tilespmem:$0x1FBA0] =	vst v63  }
0x7b: {  	s7 =	sadd.s32 @!p1 s6, s7;
	s24 =	simm.s32 @!p1 $0x13A20  }
0x7c: {  	[tilespmem:s24], [sflag:$0x1] =	stream.linear.gather @!p1 [hbm4b:s7+s23], $0x80, $0x38;
	[tilespmem:$0x1FBA0] =	vst v63  }
0x7d: {  	_ =	swait.ge [sflag:s13], $0x2000  }
0x7e: {  	[sflag:s13] =	ssyncset.done $0x0  }
0x7f: {  	[sflag:s13] =	ssyncadd.s32 $0xFFFFE000  }
0x80: {  	_ =	swait.ge [sflag:s14], $0x80  }
0x81: {  	[sflag:s14] =	ssyncset.done $0x0  }
0x82: {  	[sflag:s14] =	ssyncadd.s32 $0xFFFFFF80  }
0x83: {  	_ =	swait.ge [sflag:s14], $0x80  }
0x84: {  	[sflag:s14] =	ssyncset.done $0x0  }
0x85: {  	[sflag:s14] =	ssyncadd.s32 $0xFFFFFF80  }
0x86: {  	[tilespmem:s15], [sflag:$0x6] =	stream.indirect.gather [spmem:s3], $0x40, s1, s31, $0xb8;
	[tilespmem:$0x1FBA0] =	vst v63  }
.Ltmp2:
0x87: {  	_ = 	snop;
	(pc) =	sbr.rel @p1 .LBB2_4-.Ltmp2, $4  }
0x88: {  	[spmem:s2] =	stream.indirect.scatter.add.f32 [tilespmem:s11], [sflag:$0x8], $0x40, s29, s31, $0xb8;
	[tilespmem:$0x1FBA0] =	vst v63  }
0x89: {  	_ =	swait.ge [sflag:s17], $0x2000  }
0x8a: {  	[sflag:s17] =	ssyncset.done $0x0  }
0x8b: {  	[sflag:s17] =	ssyncadd.s32 $0xFFFFE000  }
0x8c: {  	s7 =	sadd.s32 s22, s21  }
0x8d: {  	[tilespmem:s28], [sflag:$0x2] =	stream.linear.gather [hbm4b:s7+s4], $0x80, $0x38;
	[tilespmem:$0x1FBA0] =	vst v63  }
0x8e: {  	s25 =	sadd.s32 s22, s20  }
0x8f: {  	[tilespmem:s29], [sflag:$0x2] =	stream.linear.gather [hbm4b:s25+s4], $0x80, $0x38;
	[tilespmem:$0x1FBA0] =	vst v63  }
0x90: {  	_ =	swait.ge [sflag:s18], $0x2000  }
0x91: {  	[sflag:s18] =	ssyncset.done $0x0  }
0x92: {  	[sflag:s18] =	ssyncadd.s32 $0xFFFFE000  }
0x93: {  	_ =	swait.ge [sflag:s30], $0x80  }
0x94: {  	[sflag:s30] =	ssyncset.done $0x0  }
0x95: {  	[sflag:s30] =	ssyncadd.s32 $0xFFFFFF80  }
0x96: {  	_ =	swait.ge [sflag:s30], $0x80  }
.Ltmp3:
0x97: {  	[sflag:s30] =	ssyncset.done $0x0;
	(pc) =	sbr.rel .LBB2_2-.Ltmp3, $4  }
0x98: {  	[sflag:s30] =	ssyncadd.s32 $0xFFFFFF80  }
0x99: {  	[tilespmem:s0], [sflag:$0x4] =	stream.indirect.gather [spmem:s3], $0x40, s26, s31, $0xb8;
	[tilespmem:$0x1FBA0] =	vst v63  }
0x9a: {  	s22 =	sadd.s32 $0x30, s22;
	s19 =	sadd.s32 $0x180, s19  }
0x9b: {  	[spmem:s2] =	stream.indirect.scatter.add.f32 [tilespmem:s15], [sflag:$0x9], $0x40, s8, s31, $0xb8;
	[tilespmem:$0x1FBA0] =	vst v63  }
.LBB2_5:
0x9c: {  	_ =	sfence.sel $0x180000  }
0x9d: {  	[bflag:$0x0] =	sbarrier.arrive $0xFFFF  }
0x9e: {  	_ =	strace $0x9000004A  }
0x9f: {  	s0 =	stileid.u32;
	[bflag:$0x2] =	sbarrier.arrive $0xFFFF  }
0xa0: {  	p0 =	sne.s32 s0, $0x0;
	s0 =	rddreg [dreg:$0x3]  }
0xa1: {  	s0 =	sadd.s32 @!p0 $0x100000, s0  }
0xa2: {  	[sflag:s0] =	ssyncadd.tile.s32 @!p0 $0x1;
	_ =	shalt  }
.Lfunc_end2:
_tile_overlayer_lowered:
.L_overlay_start_2:
0xa3: {  	(tag) =	ssettag $0x2  }
0xa4: {  	s0 =	rddreg [dreg:$0x0];
	s2 =	stileid.u32  }
0xa5: {  	s1 =	rddreg [dreg:$0x1];
	p0 =	sne.s32 s2, $0x0  }
0xa6: {  	s3 =	rddreg [dreg:$0x2];
	[bflag:$0x3] =	sbarrier.arrive $0xFFFF;
	s2 =	simm.s32 @!p0 $0x1C0A  }
0xa7: {  	[timem:s3], [sflag:s2] =	dma.local @!p0 [hbm:s0], s1  }
0xa8: {  	s0 =	simm.s32 @!p0 $0xA  }
0xa9: {  	_ =	swait.ge @!p0 [sflag:s0], s1  }
0xaa: {  	s1 =	ssub.s32 @!p0 $0x0, s1;
	[sflag:s0] =	ssyncset.done @!p0 $0x0  }
0xab: {  	[sflag:s0] =	ssyncadd.s32 @!p0 s1  }
0xac: {  	[bflag:$0x3] =	sbarrier.arrive $0xFFFF  }
0xad: {  	_ =	shalt  }

// kernel: kernel.14.cloned.1.call-start
scs
__scs_entry_jumppad:
0x0: {  	(pc) =	sbr.rel $0x88, $3  }
0x1: {  	(tag) =	ssettag $0x0;
	lr =	simm.s32 $0x1  }
0x2: {  	[smem:$0x3F9B] =	sst lr;
	_ =	strace $0xD0000000  }
0x3: {  	_ = 	snop  }
0x4: {  	_ = 	snop  }
0x5: {  	_ = 	snop  }
0x6: {  	_ = 	snop  }
0x7: {  	_ = 	snop  }
__scs_overlays_trampoline_lowered:
0x8: {  	[smem:$0x3FAA] =	sst s0  }
0x9: {  	[smem:$0x3FAB] =	sst s1  }
0xa: {  	[smem:$0x3FAC] =	sst s2  }
0xb: {  	[smem:$0x3FAD] =	sst s3  }
0xc: {  	[smem:$0x3FAE] =	sst s4  }
0xd: {  	[smem:$0x3FAF] =	sst s5  }
0xe: {  	[smem:$0x3FB0] =	sst s6  }
0xf: {  	[smem:$0x3FB1] =	sst s7  }
0x10: {  	[smem:$0x3FB2] =	sst s8  }
0x11: {  	[smem:$0x3FB3] =	sst s9;
	s0 =	simm.s32 @!p0 $0x0  }
0x12: {  	s1 =	sld [smem:$0x3F99];
	s0 =	simm.s32 @p0 $0x1  }
0x13: {  	[smem:$0x3FB4] =	sst s0;
	s0 =	simm.s32 @!p1 $0x0  }
0x14: {  	s2 =	sld [smem:$0x3F98];
	s0 =	simm.s32 @p1 $0x1  }
0x15: {  	[smem:$0x3FB5] =	sst s0;
	s0 =	simm.s32 @!p2 $0x0  }
0x16: {  	s3 =	sld [smem:$0x3FDB];
	s0 =	simm.s32 @p2 $0x1  }
0x17: {  	s4 =	simm.s32 $0x1BF5;
	[smem:$0x3FB7] =	sst s0  }
0x18: {  	s0 =	sld [smem:$0x3F9A];
	_ =	swait.ge [sflag:s4], $0x0  }
0x19: {  	s7 =	sld [smem:$0x3F9B]  }
0x1a: {  	s8 =	sadd.s32 $0xFFFFE003, lr  }
0x1b: {  	s9 =	sadd.s32 $0xFFFFFEF7, lr;
	s5 =	simm.s32 $0xFFFFFFFF;
	p2 =	slt.u32 s8, $0xFFFFF086  }
0x1c: {  	p1 =	slt.u32 s9, $0xF7A;
	s5 =	simm.s32 @!p2 $0x0  }
0x1d: {  	s5 =	simm.s32 @p1 $0x1;
	p0 =	seq.s32 s7, s2  }
0x1e: {  	s7 =	smul.u32 @!p0 $0xF7A, s2;
	p2 =	seq.s32 @!p0 s5, $0x0  }
0x1f: {  	s9 =	smul.u32 $0xF7A, s1;
	s8 =	simm.s32 @!p0 $0x1BF5;
	p2 =	por !p2, p0  }
0x20: {  	[sflag:s8] =	ssyncset.s32 @!p0 $0xFFFFF086;
	s6 =	sadd.s32 @!p0 s3, s7;
	s7 =	simm.s32 @!p0 $0x108  }
0x21: {  	s3 =	sadd.s32 s3, s9;
	s6 =	sadd.s32 @!p0 $0x88, s6;
	s7 =	simm.s32 @p2 $0x1082  }
0x22: {  	[simem:s7], [sflag:s8] =	dma.local @!p0 [hbm:s6], $0xF7A  }
0x23: {  	s9 =	sor.u32 $0xD0000000, s2;
	s6 =	simm.s32 $0x108;
	_ =	swait.ge @!p0 [sflag:s8], $0x0  }
0x24: {  	s3 =	sadd.s32 $0x88, s3;
	s6 =	simm.s32 @!p1 $0x1082;
	[sflag:s4] =	ssyncset.s32 $0xFFFFF086  }
0x25: {  	[simem:s6], [sflag:s4] =	dma.local [hbm:s3], $0xF7A  }
0x26: {  	[smem:$0x3F9B] =	sst s1;
	(tag) =	ssettag s2;
	_ =	strace s9  }
0x27: {  	s1 =	sld [smem:$0x3FAB]  }
0x28: {  	s2 =	sld [smem:$0x3FAC]  }
0x29: {  	s4 =	sld [smem:$0x3FAE]  }
0x2a: {  	p0 =	seq.s32 s5, $0x0;
	s5 =	sld [smem:$0x3FAF]  }
0x2b: {  	s6 =	sld [smem:$0x3FB0]  }
0x2c: {  	s7 =	sld [smem:$0x3FB1]  }
0x2d: {  	s3 =	simm.s32 $0x108;
	s8 =	sld [smem:$0x3FB2]  }
0x2e: {  	s3 =	simm.s32 @!p0 $0x1082;
	s9 =	sld [smem:$0x3FB3]  }
0x2f: {  	lr =	sadd.s32 s0, s3;
	s0 =	sld [smem:$0x3FAA]  }
0x30: {  	s3 =	sld [smem:$0x3FAD]  }
0x31: {  	[smem:$0x3FB6] =	sst s10  }
0x32: {  	s10 =	sld [smem:$0x3FB4];
	_ =	sdelay $0x3  }
0x33: {  	p0 =	seq.s32 s10, $0x1;
	s10 =	sld [smem:$0x3FB6];
	_ =	sdelay $0x3  }
0x34: {  	[smem:$0x3FB6] =	sst s10  }
0x35: {  	s10 =	sld [smem:$0x3FB5];
	_ =	sdelay $0x3  }
0x36: {  	p1 =	seq.s32 s10, $0x1;
	s10 =	sld [smem:$0x3FB6];
	_ =	sdelay $0x3  }
0x37: {  	[smem:$0x3FB6] =	sst s10  }
0x38: {  	s10 =	sld [smem:$0x3FB7]  }
0x39: {  	_ = 	snop;
	(pc) =	sbr.ind lr, $3  }
0x3a: {  	_ = 	snop  }
0x3b: {  	_ = 	snop  }
0x3c: {  	p2 =	seq.s32 s10, $0x1;
	s10 =	sld [smem:$0x3FB6]  }
0x3d: {  	_ =	shalt  }
0x3e: {  	_ =	shalt  }
0x3f: {  	_ =	shalt  }
0x40: {  	_ =	shalt  }
0x41: {  	_ =	shalt  }
0x42: {  	_ =	shalt  }
0x43: {  	_ =	shalt  }
0x44: {  	_ =	shalt  }
0x45: {  	_ =	shalt  }
0x46: {  	_ =	shalt  }
0x47: {  	_ =	shalt  }
0x48: {  	_ =	shalt  }
0x49: {  	_ =	shalt  }
0x4a: {  	_ =	shalt  }
0x4b: {  	_ =	shalt  }
0x4c: {  	_ =	shalt  }
0x4d: {  	_ =	shalt  }
0x4e: {  	_ =	shalt  }
0x4f: {  	_ =	shalt  }
0x50: {  	_ =	shalt  }
0x51: {  	_ =	shalt  }
0x52: {  	_ =	shalt  }
0x53: {  	_ =	shalt  }
0x54: {  	_ =	shalt  }
0x55: {  	_ =	shalt  }
0x56: {  	_ =	shalt  }
0x57: {  	_ =	shalt  }
0x58: {  	_ =	shalt  }
0x59: {  	_ =	shalt  }
0x5a: {  	_ =	shalt  }
0x5b: {  	_ =	shalt  }
0x5c: {  	_ =	shalt  }
0x5d: {  	_ =	shalt  }
0x5e: {  	_ =	shalt  }
0x5f: {  	_ =	shalt  }
0x60: {  	_ =	shalt  }
0x61: {  	_ =	shalt  }
0x62: {  	_ =	shalt  }
0x63: {  	_ =	shalt  }
0x64: {  	_ =	shalt  }
0x65: {  	_ =	shalt  }
0x66: {  	_ =	shalt  }
0x67: {  	_ =	shalt  }
0x68: {  	_ =	shalt  }
0x69: {  	_ =	shalt  }
0x6a: {  	_ =	shalt  }
0x6b: {  	_ =	shalt  }
0x6c: {  	_ =	shalt  }
0x6d: {  	_ =	shalt  }
0x6e: {  	_ =	shalt  }
0x6f: {  	_ =	shalt  }
0x70: {  	_ =	shalt  }
0x71: {  	_ =	shalt  }
0x72: {  	_ =	shalt  }
0x73: {  	_ =	shalt  }
0x74: {  	_ =	shalt  }
0x75: {  	_ =	shalt  }
0x76: {  	_ =	shalt  }
0x77: {  	_ =	shalt  }
0x78: {  	_ =	shalt  }
0x79: {  	_ =	shalt  }
0x7a: {  	_ =	shalt  }
0x7b: {  	_ =	shalt  }
0x7c: {  	_ =	shalt  }
0x7d: {  	_ =	shalt  }
0x7e: {  	_ =	shalt  }
0x7f: {  	_ =	shalt  }
0x80: {  	_ =	shalt  }
0x81: {  	_ =	shalt  }
0x82: {  	_ =	shalt  }
0x83: {  	_ =	shalt  }
0x84: {  	_ =	shalt  }
0x85: {  	_ =	shalt  }
0x86: {  	_ =	shalt  }
0x87: {  	_ =	shalt  }
.Lfunc_end0:
.L_simem_size_0:
called_computation.2_lowered:
.L_overlay_start_0:
0x88: {  	s2 =	sld [smem:$0x3FD9]  }
0x89: {  	s3 =	sld [smem:$0x3FFE];
	_ =	sdelay $0x1  }
0x8a: {  	s1 =	srdreg.scid  }
0x8b: {  	s0 =	sand.u32 $0x1, s1  }
0x8c: {  	s16 =	sshll.u32 s0, $0xA;
	s2 =	sadd.s32 s3, s2  }
0x8d: {  	s2 =	sadd.s32 s2, s16  }
0x8e: {  	[smem:$0x3FC2] =	sst s2  }
0x8f: {  	_ = 	snop  }
0x90: {  	(tm) =	ssettm $0x1  }
0x91: {  	s17 =	sld [smem:$0x3FFB];
	_ =	sdelay $0x3  }
0x92: {  	_ =	strace s17  }
0x93: {  	s2 =	sld [smem:$0x3FFC];
	_ =	sdelay $0x3  }
0x94: {  	_ =	strace s2  }
0x95: {  	s2 =	sld [smem:$0x3FFD];
	_ =	sdelay $0x3  }
0x96: {  	_ =	strace s2  }
0x97: {  	_ =	strace $0x8FFFFFFF  }
0x98: {  	s18 =	sld [smem:$0x3FDB];
	_ =	sdelay $0x1  }
0x99: {  	s19 =	simm.s32 $_scs_section_size  }
0x9a: {  	s4 =	simm.s32 $_size__tile_overlayer_lowered;
	s5 =	simm.s32 $_tile_overlayer_lowered  }
0x9b: {  	s22 =	simm.s32 $0x1BFF;
	s21 =	sshll.u32 s5, $0x1;
	s2 =	sadd.s32 s19, s18  }
0x9c: {  	s6 =	simm.s32 $0x0;
	s20 =	sshll.u32 s4, $0x1;
	s4 =	sadd.s32 s21, s2  }
0x9d: {  	[timem:s6], [sflag:s22] =	dma.local [hbm:s4], s20  }
0x9e: {  	_ =	swait.ge [sflag:s22], s20  }
0x9f: {  	s3 =	ssub.s32 $0x0, s20;
	[sflag:s22] =	ssyncset.done $0x0  }
0xa0: {  	[sflag:s22] =	ssyncadd.s32 s3;
	_ =	sdelay $0x1  }
0xa1: {  	s23 =	simm.s32 $0x1B8B  }
0xa2: {  	_ =	swait.ge [sflag:s23], $0x1  }
0xa3: {  	[sflag:s23] =	ssyncset.done $0x0  }
0xa4: {  	s25 =	simm.s32 $0x1B8E;
	s24 =	sld [smem:$0x3FFE];
	[sflag:s23] =	ssyncadd.s32 $0xFFFFFFFF  }
0xa5: {  	s26 =	simm.s32 $execute0_lowered;
	[smem:$0x3FD2] =	sst s25  }
0xa6: {  	s4 =	sshll.u32 s26, $0x1;
	_ =	strace $0x8000004C;
	[dreg:$0x1] =	wrdreg $0xFFFFFFFF  }
0xa7: {  	s28 =	simm.s32 $_size_execute0_lowered;
	s2 =	sadd.s32 s2, s4;
	[dreg:$0x0] =	wrdreg $0x0  }
0xa8: {  	s4 =	sshll.u32 s28, $0x1;
	[dreg:$0x2] =	wrdreg s2  }
0xa9: {  	[dreg:$0x3] =	wrdreg s4  }
0xaa: {  	[dreg:$0x4] =	wrdreg $0xC0  }
0xab: {  	_ =	task [dreg:s6], $0x5FFFF  }
0xac: {  	[dreg:$0x1] =	wrdreg $0xFFFFFFFF  }
0xad: {  	[dreg:$0x0] =	wrdreg $0x60  }
0xae: {  	[dreg:$0x2] =	wrdreg s24  }
0xaf: {  	[dreg:$0x3] =	wrdreg $0x0  }
0xb0: {  	[dreg:$0x4] =	wrdreg $0x27180  }
0xb1: {  	[dreg:$0x5] =	wrdreg $0x9  }
0xb2: {  	_ =	task.clear_ibuf [dreg:s6], $0x6FFFF;
	_ =	strace $0x9000004C  }
0xb3: {  	s29 =	simm.s32 $0x9;
	_ =	strace $0x8000004E  }
0xb4: {  	_ =	swait.ge [sflag:s29], $0x1  }
0xb5: {  	[sflag:s29] =	ssyncadd.s32 $0xFFFFFFFF  }
0xb6: {  	_ =	strace $0x9000004E  }
0xb7: {  	_ =	sfence  }
0xb8: {  	s30 =	sld [smem:$0x0];
	_ =	sdelay $0x2  }
0xb9: {  	s31 =	sshll.u32 s1, $0xD;
	s1 =	sshrl.u32 s1, $0x2  }
0xba: {  	s3 =	sand.u32 $0x4000, s31;
	s1 =	sadd.s32 s1, s30  }
0xbb: {  	s0 =	sor.u32 s3, s0;
	s1 =	sshll.u32 s1, $0x11  }
0xbc: {  	s0 =	sor.u32 s1, s0  }
0xbd: {  	s0 =	sadd.s32 $0x8F2B, s0  }
0xbe: {  	[sflag:s0] =	ssyncadd.remote.s32 $0x1  }
0xbf: {  	_ =	sfence.sel $0xFFFF  }
0xc0: {  	[dreg:$0x0] =	wrdreg $0xFFFFFFFF;
	(pc) =	sbr.abs _section_cstart, $3  }
0xc1: {  	[dreg:$0x1] =	wrdreg $0xFFFFFFFF  }
0xc2: {  	_ =	task.clear_ibuf [dreg:s6], $0x2FFFF;
	_ =	strace $0x9FFFFFFF  }
0xc3: {  	(tm) =	ssettm $0x7FFFFFFF  }
tec
execute0_lowered:
.L_overlay_start_1:
0x0: {  	(tag) =	ssettag $0x1  }
0x1: {  	s0 =	rddreg [dreg:$0x0]  }
0x2: {  	s2 =	rddreg [dreg:$0x1]  }
0x3: {  	s3 =	rddreg [dreg:$0x2]  }
0x4: {  	s4 =	simm.s32 $0x0;
	s15 =	stileid.u32;
	s7 =	srdreg.scid  }
0x5: {  	s28 =	simm.s32 $0x4EA8;
	s29 =	simm.s32 $0x5028;
	s30 =	simm.s32 $0x1  }
0x6: {  	s31 =	simm.s32 $0x80;
	[smem:$0x7FF] =	sst s4;
	s1 =	smul.u32 $0x2700, s15  }
0x7: {  	s5 =	sadd.s32 $0x67600, s0;
	s6 =	sadd.s32 $0x5D400, s0;
	s7 =	sand.u32 $0x1, s7  }
0x8: {  	s8 =	sadd.s32 $0x51000, s0;
	s9 =	smul.u32 $0x4E000, s15;
	s10 =	sadd.s32 $0x71800, s0  }
0x9: {  	s16 =	sadd.s32 $0x124800, s2;
	s22 =	smul.u32 $0x2880, s15;
	p0 =	seq.s32 s15, $0xF  }
0xa: {  	_ =	strace $0x8000004D;
	[dreg:$0x4] =	wrdreg s8;
	s26 =	ssub.s32 $0x2, s7  }
0xb: {  	s12 =	sshll.u32 s7, $0x4;
	[dreg:$0x7] =	wrdreg s16;
	s17 =	smul.u32 $0x138800, s7  }
0xc: {  	s19 =	smul.u32 $0x28800, s7;
	s1 =	sadd.s32 s1, s0;
	s11 =	sshrl.u32 s26, $0x1  }
0xd: {  	s13 =	sor.u32 s15, s12;
	s9 =	sshrl.u32 s9, $0x2;
	s12 =	sadd.s32 $0x124800, s3  }
0xe: {  	s0 =	sadd.s32 $0x27500, s0;
	s8 =	ssub.s32 s26, s11;
	s11 =	smul.u32 $0x2880, s13  }
0xf: {  	s14 =	sadd.s32 s9, s2;
	s1 =	sadd.s32 $0x2C00, s1;
	[dreg:$0x8] =	wrdreg s0  }
0x10: {  	s0 =	sadd.s32 s22, s19;
	s22 =	simm.s32 $0x0;
	[dreg:$0x5] =	wrdreg s14  }
0x11: {  	[dreg:$0x6] =	wrdreg s1;
	s1 =	sadd.s32 s9, s3;
	s14 =	smul.u32 $0x13800, s15  }
0x12: {  	s9 =	sshrl.u32 s17, $0x3;
	s24 =	sadd.s32 $0x200, s0;
	s8 =	smax.u32 s8, $0x1  }
0x13: {  	s0 =	sadd.s32 $0x180, s0;
	s15 =	simm.s32 $0xD128;
	s13 =	sshrl.u32 s11, $0x3  }
0x14: {  	s9 =	sadd.s32 s10, s9;
	s26 =	sshrl.u32 s24, $0x3;
	[dreg:$0xf] =	wrdreg s8  }
0x15: {  	[dreg:$0x10] =	wrdreg s0;
	s0 =	sshrl.u32 @p0 s12, $0x3;
	s8 =	simm.s32 $0x50A8  }
0x16: {  	s12 =	simm.s32 $0x7;
	s18 =	sadd.s32 s5, s13;
	s20 =	sadd.s32 s6, s13  }
0x17: {  	s21 =	sadd.s32 $0x10, s13;
	s23 =	sadd.s32 s14, s17;
	s25 =	sadd.s32 $0x24900, s9  }
0x18: {  	[dreg:$0x11] =	wrdreg s0;
	s0 =	sshrl.u32 @!p0 s1, $0x3;
	s1 =	simm.s32 $0x4F28  }
0x19: {  	s9 =	simm.s32 $0x4;
	s13 =	simm.s32 $0x5;
	[dreg:$0x9] =	wrdreg s18  }
0x1a: {  	s14 =	simm.s32 $0x3;
	s17 =	simm.s32 $0x8;
	[dreg:$0xa] =	wrdreg s20  }
0x1b: {  	s16 =	sadd.s32 s5, s21;
	s7 =	sadd.s32 s6, s21;
	[dreg:$0xe] =	wrdreg s25  }
.Ltmp0:
0x1c: {  	s20 =	sadd.s32 s26, s6;
	s21 =	sadd.s32 s26, s5;
	(pc) =	sbr.rel .LBB2_1-.Ltmp0, $4  }
0x1d: {  	[dreg:$0x12] =	wrdreg s0;
	s0 =	simm.s32 $0x5128;
	s18 =	simm.s32 $0x6  }
0x1e: {  	s26 =	simm.s32 $0x4E28;
	[dreg:$0xc] =	wrdreg s7;
	s7 =	sshrl.u32 s23, $0x3  }
0x1f: {  	[dreg:$0xb] =	wrdreg s16;
	s16 =	sadd.s32 $0x100, s11;
	s7 =	sadd.s32 s10, s7  }
0x20: {  	s11 =	simm.s32 $0x9128;
	s10 =	simm.s32 $0x2;
	[dreg:$0xd] =	wrdreg s7  }
.LBB2_4:
0x21: {  	_ =	swait.ge [sflag:s18], $0x800  }
0x22: {  	[sflag:s18] =	ssyncset.done $0x0  }
0x23: {  	s7 =	simm.s32 $0x9;
	[sflag:s18] =	ssyncadd.s32 $0xFFFFF800  }
0x24: {  	[spmem:s2] =	stream.indirect.scatter.add.f32 [tilespmem:s15], [sflag:$0x9], $0x10, s8, s31, $0xb8;
	[tilespmem:$0x11128] =	vst v63  }
0x25: {  	_ =	swait.ge [sflag:s7], $0x800  }
0x26: {  	[sflag:s7] =	ssyncset.done $0x0  }
0x27: {  	[sflag:s7] =	ssyncadd.s32 $0xFFFFF800  }
0x28: {  	[bflag:$0x0] =	sbarrier.arrive $0xFFFF  }
0x29: {  	s19 =	rddreg [dreg:$0xe]  }
0x2a: {  	s7 =	simm.s32 @p0 $0x1FCA;
	s22 =	rddreg [dreg:$0x14]  }
0x2b: {  	[hbm:s19], [sflag:s7] =	dma.local @p0 [spmem:s22], $0x2800  }
0x2c: {  	s7 =	simm.s32 @p0 $0xA  }
0x2d: {  	_ =	swait.ge @p0 [sflag:s7], $0x2800  }
0x2e: {  	s19 =	rddreg [dreg:$0x15]  }
0x2f: {  	[sflag:s7] =	ssyncset.done @p0 $0x0;
	s22 =	rddreg [dreg:$0x16]  }
0x30: {  	[sflag:s7] =	ssyncadd.s32 @p0 $0xFFFFD800;
	s7 =	rddreg [dreg:$0xd]  }
0x31: {  	[hbm:s7], [sflag:s19] =	dma.local @!p0 [spmem:s22], $0x2700  }
0x32: {  	s7 =	simm.s32 @!p0 $0xA  }
0x33: {  	_ =	swait.ge @!p0 [sflag:s7], $0x2700  }
0x34: {  	s24 =	rddreg [dreg:$0x13]  }
0x35: {  	s25 =	rddreg [dreg:$0xf];
	s22 =	sadd.s32 $0x1, s24  }
0x36: {  	p1 =	sne.s32 s22, s25  }
.Ltmp1:
0x37: {  	_ = 	snop;
	(pc) =	sbr.rel @!p1 .LBB2_5-.Ltmp1, $3  }
0x38: {  	_ =	sdelay $0x1  }
0x39: {  	[sflag:s7] =	ssyncset.done @!p0 $0x0  }
0x3a: {  	[sflag:s7] =	ssyncadd.s32 @!p0 $0xFFFFD900  }
.LBB2_1:
0x3b: {  	[dreg:$0x13] =	wrdreg s22  }
0x3c: {  	s7 =	rddreg [dreg:$0x7]  }
0x3d: {  	s22 =	rddreg [dreg:$0x4];
	s19 =	sshrl.u32 @p0 s7, $0x3  }
0x3e: {  	s7 =	simm.s32 @p0 $0x1FCA;
	[dreg:$0x14] =	wrdreg s19  }
0x3f: {  	[spmem:s19], [sflag:s7] =	dma.local @p0 [hbm:s22], $0x2880  }
0x40: {  	s19 =	simm.s32 @p0 $0xA  }
0x41: {  	_ =	swait.ge @p0 [sflag:s19], $0x2880  }
0x42: {  	[sflag:s19] =	ssyncset.done @p0 $0x0;
	s23 =	rddreg [dreg:$0x8]  }
0x43: {  	s24 =	rddreg [dreg:$0x11];
	[sflag:s19] =	ssyncadd.s32 @p0 $0xFFFFD780  }
0x44: {  	[spmem:s24], [sflag:s7] =	dma.local @p0 [hbm:s23], $0x2800  }
0x45: {  	s7 =	stileid.u32  }
0x46: {  	_ =	swait.ge @p0 [sflag:s19], $0x2800;
	s7 =	sshll.u32 @!p0 s7, $0x6  }
0x47: {  	s23 =	sor.u32 @!p0 $0x1C0A, s7;
	s7 =	rddreg [dreg:$0x5]  }
0x48: {  	[sflag:s19] =	ssyncset.done @p0 $0x0;
	s7 =	sshrl.u32 @!p0 s7, $0x3  }
0x49: {  	[sflag:s19] =	ssyncadd.s32 @p0 $0xFFFFD800;
	s19 =	simm.s32 @!p0 $0xA;
	[dreg:$0x16] =	wrdreg s7  }
0x4a: {  	[spmem:s7], [sflag:s23] =	dma.local @!p0 [hbm:s22], $0x2700  }
0x4b: {  	_ =	swait.ge @!p0 [sflag:s19], $0x2700;
	[dreg:$0x15] =	wrdreg s23  }
0x4c: {  	[sflag:s19] =	ssyncset.done @!p0 $0x0;
	s7 =	rddreg [dreg:$0x6]  }
0x4d: {  	s22 =	rddreg [dreg:$0x12];
	[sflag:s19] =	ssyncadd.s32 @!p0 $0xFFFFD900  }
0x4e: {  	[spmem:s22], [sflag:s23] =	dma.local @!p0 [hbm:s7], $0x2700  }
0x4f: {  	_ =	swait.ge @!p0 [sflag:s19], $0x2700  }
0x50: {  	[sflag:s19] =	ssyncset.done @!p0 $0x0  }
0x51: {  	[sflag:s19] =	ssyncadd.s32 @!p0 $0xFFFFD900  }
0x52: {  	[bflag:$0x0] =	sbarrier.arrive $0xFFFF  }
0x53: {  	s19 =	simm.s32 $0x4E28;
	s25 =	rddreg [dreg:$0x9]  }
0x54: {  	[tilespmem:s19], [sflag:$0x1] =	stream.linear.gather [hbm4b:s25+s4], $0x80, $0x38;
	[tilespmem:$0x11128] =	vst v63  }
0x55: {  	s23 =	simm.s32 $0x4FA8;
	s22 =	rddreg [dreg:$0xa]  }
0x56: {  	[tilespmem:s23], [sflag:$0x1] =	stream.linear.gather [hbm4b:s22+s4], $0x80, $0x38;
	[tilespmem:$0x11128] =	vst v63  }
0x57: {  	s24 =	rddreg [dreg:$0xb]  }
0x58: {  	[tilespmem:s28], [sflag:$0x2] =	stream.linear.gather [hbm4b:s24+s4], $0x80, $0x38;
	[tilespmem:$0x11128] =	vst v63  }
0x59: {  	s25 =	rddreg [dreg:$0xc]  }
0x5a: {  	[tilespmem:s29], [sflag:$0x2] =	stream.linear.gather [hbm4b:s25+s4], $0x80, $0x38;
	[tilespmem:$0x11128] =	vst v63  }
0x5b: {  	_ =	swait.ge [sflag:s30], $0x80  }
0x5c: {  	[sflag:s30] =	ssyncset.done $0x0  }
0x5d: {  	[sflag:s30] =	ssyncadd.s32 $0xFFFFFF80  }
0x5e: {  	_ =	swait.ge [sflag:s30], $0x80  }
0x5f: {  	[sflag:s30] =	ssyncset.done $0x0  }
0x60: {  	[sflag:s30] =	ssyncadd.s32 $0xFFFFFF80  }
0x61: {  	[tilespmem:s0], [sflag:$0x4] =	stream.indirect.gather [spmem:s3], $0x10, s19, s31, $0xb8;
	[tilespmem:$0x11128] =	vst v63  }
0x62: {  	s22 =	simm.s32 $0x0;
	s19 =	rddreg [dreg:$0x10]  }
.LBB2_2:
0x63: {  	p1 =	seq.s32 s22, $0x0  }
0x64: {  	s7 =	simm.s32 @!p1 $0x9;
	s24 =	sadd.s32 @!p1 $0xFFFFFF80, s19  }
0x65: {  	_ =	swait.ge @!p1 [sflag:s7], $0x800;
	s24 =	smov.u32 @p1 s16  }
0x66: {  	[sflag:s7] =	ssyncset.done @!p1 $0x0;
	s24 =	sshrl.u32 s24, $0x3  }
0x67: {  	[sflag:s7] =	ssyncadd.s32 @!p1 $0xFFFFF800;
	s23 =	sadd.s32 s5, s24  }
0x68: {  	[tilespmem:s1], [sflag:$0x3] =	stream.linear.gather [hbm4b:s23+s4], $0x80, $0x38;
	[tilespmem:$0x11128] =	vst v63  }
0x69: {  	s24 =	sadd.s32 s6, s24  }
0x6a: {  	[tilespmem:s8], [sflag:$0x3] =	stream.linear.gather [hbm4b:s24+s4], $0x80, $0x38;
	[tilespmem:$0x11128] =	vst v63  }
0x6b: {  	_ =	swait.ge [sflag:s9], $0x800  }
0x6c: {  	[sflag:s9] =	ssyncset.done $0x0  }
0x6d: {  	[sflag:s9] =	ssyncadd.s32 $0xFFFFF800  }
0x6e: {  	_ =	swait.ge [sflag:s10], $0x80  }
0x6f: {  	[sflag:s10] =	ssyncset.done $0x0  }
0x70: {  	[sflag:s10] =	ssyncadd.s32 $0xFFFFFF80  }
0x71: {  	_ =	swait.ge [sflag:s10], $0x80  }
0x72: {  	[sflag:s10] =	ssyncset.done $0x0  }
0x73: {  	[sflag:s10] =	ssyncadd.s32 $0xFFFFFF80  }
0x74: {  	[tilespmem:s11], [sflag:$0x5] =	stream.indirect.gather [spmem:s3], $0x10, s28, s31, $0xb8;
	[tilespmem:$0x11128] =	vst v63  }
0x75: {  	s25 =	simm.s32 $0x4FA8  }
0x76: {  	[spmem:s2] =	stream.indirect.scatter.add.f32 [tilespmem:s0], [sflag:$0x7], $0x10, s25, s31, $0xb8;
	[tilespmem:$0x11128] =	vst v63  }
0x77: {  	p1 =	seq.s32 s22, $0x4E0;
	_ =	swait.ge [sflag:s12], $0x800  }
0x78: {  	s7 =	sshrl.u32 @!p1 s19, $0x3;
	s23 =	simm.s32 @!p1 $0x0;
	[sflag:s12] =	ssyncset.done $0x0  }
0x79: {  	s24 =	sadd.s32 @!p1 s5, s7;
	s25 =	simm.s32 @!p1 $0x4E28;
	[sflag:s12] =	ssyncadd.s32 $0xFFFFF800  }
0x7a: {  	[tilespmem:s25], [sflag:$0x1] =	stream.linear.gather @!p1 [hbm4b:s24+s23], $0x80, $0x38;
	[tilespmem:$0x11128] =	vst v63  }
0x7b: {  	s7 =	sadd.s32 @!p1 s6, s7;
	s24 =	simm.s32 @!p1 $0x4FA8  }
0x7c: {  	[tilespmem:s24], [sflag:$0x1] =	stream.linear.gather @!p1 [hbm4b:s7+s23], $0x80, $0x38;
	[tilespmem:$0x11128] =	vst v63  }
0x7d: {  	_ =	swait.ge [sflag:s13], $0x800  }
0x7e: {  	[sflag:s13] =	ssyncset.done $0x0  }
0x7f: {  	[sflag:s13] =	ssyncadd.s32 $0xFFFFF800  }
0x80: {  	_ =	swait.ge [sflag:s14], $0x80  }
0x81: {  	[sflag:s14] =	ssyncset.done $0x0  }
0x82: {  	[sflag:s14] =	ssyncadd.s32 $0xFFFFFF80  }
0x83: {  	_ =	swait.ge [sflag:s14], $0x80  }
0x84: {  	[sflag:s14] =	ssyncset.done $0x0  }
0x85: {  	[sflag:s14] =	ssyncadd.s32 $0xFFFFFF80  }
0x86: {  	[tilespmem:s15], [sflag:$0x6] =	stream.indirect.gather [spmem:s3], $0x10, s1, s31, $0xb8;
	[tilespmem:$0x11128] =	vst v63  }
.Ltmp2:
0x87: {  	_ = 	snop;
	(pc) =	sbr.rel @p1 .LBB2_4-.Ltmp2, $4  }
0x88: {  	[spmem:s2] =	stream.indirect.scatter.add.f32 [tilespmem:s11], [sflag:$0x8], $0x10, s29, s31, $0xb8;
	[tilespmem:$0x11128] =	vst v63  }
0x89: {  	_ =	swait.ge [sflag:s17], $0x800  }
0x8a: {  	[sflag:s17] =	ssyncset.done $0x0  }
0x8b: {  	[sflag:s17] =	ssyncadd.s32 $0xFFFFF800  }
0x8c: {  	s7 =	sadd.s32 s22, s21  }
0x8d: {  	[tilespmem:s28], [sflag:$0x2] =	stream.linear.gather [hbm4b:s7+s4], $0x80, $0x38;
	[tilespmem:$0x11128] =	vst v63  }
0x8e: {  	s25 =	sadd.s32 s22, s20  }
0x8f: {  	[tilespmem:s29], [sflag:$0x2] =	stream.linear.gather [hbm4b:s25+s4], $0x80, $0x38;
	[tilespmem:$0x11128] =	vst v63  }
0x90: {  	_ =	swait.ge [sflag:s18], $0x800  }
0x91: {  	[sflag:s18] =	ssyncset.done $0x0  }
0x92: {  	[sflag:s18] =	ssyncadd.s32 $0xFFFFF800  }
0x93: {  	_ =	swait.ge [sflag:s30], $0x80  }
0x94: {  	[sflag:s30] =	ssyncset.done $0x0  }
0x95: {  	[sflag:s30] =	ssyncadd.s32 $0xFFFFFF80  }
0x96: {  	_ =	swait.ge [sflag:s30], $0x80  }
.Ltmp3:
0x97: {  	[sflag:s30] =	ssyncset.done $0x0;
	(pc) =	sbr.rel .LBB2_2-.Ltmp3, $4  }
0x98: {  	[sflag:s30] =	ssyncadd.s32 $0xFFFFFF80  }
0x99: {  	[tilespmem:s0], [sflag:$0x4] =	stream.indirect.gather [spmem:s3], $0x10, s26, s31, $0xb8;
	[tilespmem:$0x11128] =	vst v63  }
0x9a: {  	s22 =	sadd.s32 $0x30, s22;
	s19 =	sadd.s32 $0x180, s19  }
0x9b: {  	[spmem:s2] =	stream.indirect.scatter.add.f32 [tilespmem:s15], [sflag:$0x9], $0x10, s8, s31, $0xb8;
	[tilespmem:$0x11128] =	vst v63  }
.LBB2_5:
0x9c: {  	_ =	sfence.sel $0x180000  }
0x9d: {  	[bflag:$0x0] =	sbarrier.arrive $0xFFFF  }
0x9e: {  	_ =	strace $0x9000004D  }
0x9f: {  	s0 =	stileid.u32;
	[bflag:$0x2] =	sbarrier.arrive $0xFFFF  }
0xa0: {  	p0 =	sne.s32 s0, $0x0;
	s0 =	rddreg [dreg:$0x3]  }
0xa1: {  	s0 =	sadd.s32 @!p0 $0x100000, s0  }
0xa2: {  	[sflag:s0] =	ssyncadd.tile.s32 @!p0 $0x1;
	_ =	shalt  }
.Lfunc_end2:
_tile_overlayer_lowered:
.L_overlay_start_2:
0xa3: {  	(tag) =	ssettag $0x2  }
0xa4: {  	s0 =	rddreg [dreg:$0x0];
	s2 =	stileid.u32  }
0xa5: {  	s1 =	rddreg [dreg:$0x1];
	p0 =	sne.s32 s2, $0x0  }
0xa6: {  	s3 =	rddreg [dreg:$0x2];
	[bflag:$0x3] =	sbarrier.arrive $0xFFFF;
	s2 =	simm.s32 @!p0 $0x1C0A  }
0xa7: {  	[timem:s3], [sflag:s2] =	dma.local @!p0 [hbm:s0], s1  }
0xa8: {  	s0 =	simm.s32 @!p0 $0xA  }
0xa9: {  	_ =	swait.ge @!p0 [sflag:s0], s1  }
0xaa: {  	s1 =	ssub.s32 @!p0 $0x0, s1;
	[sflag:s0] =	ssyncset.done @!p0 $0x0  }
0xab: {  	[sflag:s0] =	ssyncadd.s32 @!p0 s1  }
0xac: {  	[bflag:$0x3] =	sbarrier.arrive $0xFFFF  }
0xad: {  	_ =	shalt  }

// kernel: kernel.8.cloned.1.call-start
scs
__scs_entry_jumppad:
0x0: {  	(pc) =	sbr.rel $0x88, $3  }
0x1: {  	(tag) =	ssettag $0x0;
	lr =	simm.s32 $0x1  }
0x2: {  	[smem:$0x3F9B] =	sst lr;
	_ =	strace $0xD0000000  }
0x3: {  	_ = 	snop  }
0x4: {  	_ = 	snop  }
0x5: {  	_ = 	snop  }
0x6: {  	_ = 	snop  }
0x7: {  	_ = 	snop  }
__scs_overlays_trampoline_lowered:
0x8: {  	[smem:$0x3FAA] =	sst s0  }
0x9: {  	[smem:$0x3FAB] =	sst s1  }
0xa: {  	[smem:$0x3FAC] =	sst s2  }
0xb: {  	[smem:$0x3FAD] =	sst s3  }
0xc: {  	[smem:$0x3FAE] =	sst s4  }
0xd: {  	[smem:$0x3FAF] =	sst s5  }
0xe: {  	[smem:$0x3FB0] =	sst s6  }
0xf: {  	[smem:$0x3FB1] =	sst s7  }
0x10: {  	[smem:$0x3FB2] =	sst s8  }
0x11: {  	[smem:$0x3FB3] =	sst s9;
	s0 =	simm.s32 @!p0 $0x0  }
0x12: {  	s1 =	sld [smem:$0x3F99];
	s0 =	simm.s32 @p0 $0x1  }
0x13: {  	[smem:$0x3FB4] =	sst s0;
	s0 =	simm.s32 @!p1 $0x0  }
0x14: {  	s2 =	sld [smem:$0x3F98];
	s0 =	simm.s32 @p1 $0x1  }
0x15: {  	[smem:$0x3FB5] =	sst s0;
	s0 =	simm.s32 @!p2 $0x0  }
0x16: {  	s3 =	sld [smem:$0x3FDB];
	s0 =	simm.s32 @p2 $0x1  }
0x17: {  	s4 =	simm.s32 $0x1BF5;
	[smem:$0x3FB7] =	sst s0  }
0x18: {  	s0 =	sld [smem:$0x3F9A];
	_ =	swait.ge [sflag:s4], $0x0  }
0x19: {  	s7 =	sld [smem:$0x3F9B]  }
0x1a: {  	s8 =	sadd.s32 $0xFFFFE003, lr  }
0x1b: {  	s9 =	sadd.s32 $0xFFFFFEF7, lr;
	s5 =	simm.s32 $0xFFFFFFFF;
	p2 =	slt.u32 s8, $0xFFFFF086  }
0x1c: {  	p1 =	slt.u32 s9, $0xF7A;
	s5 =	simm.s32 @!p2 $0x0  }
0x1d: {  	s5 =	simm.s32 @p1 $0x1;
	p0 =	seq.s32 s7, s2  }
0x1e: {  	s7 =	smul.u32 @!p0 $0xF7A, s2;
	p2 =	seq.s32 @!p0 s5, $0x0  }
0x1f: {  	s9 =	smul.u32 $0xF7A, s1;
	s8 =	simm.s32 @!p0 $0x1BF5;
	p2 =	por !p2, p0  }
0x20: {  	[sflag:s8] =	ssyncset.s32 @!p0 $0xFFFFF086;
	s6 =	sadd.s32 @!p0 s3, s7;
	s7 =	simm.s32 @!p0 $0x108  }
0x21: {  	s3 =	sadd.s32 s3, s9;
	s6 =	sadd.s32 @!p0 $0x88, s6;
	s7 =	simm.s32 @p2 $0x1082  }
0x22: {  	[simem:s7], [sflag:s8] =	dma.local @!p0 [hbm:s6], $0xF7A  }
0x23: {  	s9 =	sor.u32 $0xD0000000, s2;
	s6 =	simm.s32 $0x108;
	_ =	swait.ge @!p0 [sflag:s8], $0x0  }
0x24: {  	s3 =	sadd.s32 $0x88, s3;
	s6 =	simm.s32 @!p1 $0x1082;
	[sflag:s4] =	ssyncset.s32 $0xFFFFF086  }
0x25: {  	[simem:s6], [sflag:s4] =	dma.local [hbm:s3], $0xF7A  }
0x26: {  	[smem:$0x3F9B] =	sst s1;
	(tag) =	ssettag s2;
	_ =	strace s9  }
0x27: {  	s1 =	sld [smem:$0x3FAB]  }
0x28: {  	s2 =	sld [smem:$0x3FAC]  }
0x29: {  	s4 =	sld [smem:$0x3FAE]  }
0x2a: {  	p0 =	seq.s32 s5, $0x0;
	s5 =	sld [smem:$0x3FAF]  }
0x2b: {  	s6 =	sld [smem:$0x3FB0]  }
0x2c: {  	s7 =	sld [smem:$0x3FB1]  }
0x2d: {  	s3 =	simm.s32 $0x108;
	s8 =	sld [smem:$0x3FB2]  }
0x2e: {  	s3 =	simm.s32 @!p0 $0x1082;
	s9 =	sld [smem:$0x3FB3]  }
0x2f: {  	lr =	sadd.s32 s0, s3;
	s0 =	sld [smem:$0x3FAA]  }
0x30: {  	s3 =	sld [smem:$0x3FAD]  }
0x31: {  	[smem:$0x3FB6] =	sst s10  }
0x32: {  	s10 =	sld [smem:$0x3FB4];
	_ =	sdelay $0x3  }
0x33: {  	p0 =	seq.s32 s10, $0x1;
	s10 =	sld [smem:$0x3FB6];
	_ =	sdelay $0x3  }
0x34: {  	[smem:$0x3FB6] =	sst s10  }
0x35: {  	s10 =	sld [smem:$0x3FB5];
	_ =	sdelay $0x3  }
0x36: {  	p1 =	seq.s32 s10, $0x1;
	s10 =	sld [smem:$0x3FB6];
	_ =	sdelay $0x3  }
0x37: {  	[smem:$0x3FB6] =	sst s10  }
0x38: {  	s10 =	sld [smem:$0x3FB7]  }
0x39: {  	_ = 	snop;
	(pc) =	sbr.ind lr, $3  }
0x3a: {  	_ = 	snop  }
0x3b: {  	_ = 	snop  }
0x3c: {  	p2 =	seq.s32 s10, $0x1;
	s10 =	sld [smem:$0x3FB6]  }
0x3d: {  	_ =	shalt  }
0x3e: {  	_ =	shalt  }
0x3f: {  	_ =	shalt  }
0x40: {  	_ =	shalt  }
0x41: {  	_ =	shalt  }
0x42: {  	_ =	shalt  }
0x43: {  	_ =	shalt  }
0x44: {  	_ =	shalt  }
0x45: {  	_ =	shalt  }
0x46: {  	_ =	shalt  }
0x47: {  	_ =	shalt  }
0x48: {  	_ =	shalt  }
0x49: {  	_ =	shalt  }
0x4a: {  	_ =	shalt  }
0x4b: {  	_ =	shalt  }
0x4c: {  	_ =	shalt  }
0x4d: {  	_ =	shalt  }
0x4e: {  	_ =	shalt  }
0x4f: {  	_ =	shalt  }
0x50: {  	_ =	shalt  }
0x51: {  	_ =	shalt  }
0x52: {  	_ =	shalt  }
0x53: {  	_ =	shalt  }
0x54: {  	_ =	shalt  }
0x55: {  	_ =	shalt  }
0x56: {  	_ =	shalt  }
0x57: {  	_ =	shalt  }
0x58: {  	_ =	shalt  }
0x59: {  	_ =	shalt  }
0x5a: {  	_ =	shalt  }
0x5b: {  	_ =	shalt  }
0x5c: {  	_ =	shalt  }
0x5d: {  	_ =	shalt  }
0x5e: {  	_ =	shalt  }
0x5f: {  	_ =	shalt  }
0x60: {  	_ =	shalt  }
0x61: {  	_ =	shalt  }
0x62: {  	_ =	shalt  }
0x63: {  	_ =	shalt  }
0x64: {  	_ =	shalt  }
0x65: {  	_ =	shalt  }
0x66: {  	_ =	shalt  }
0x67: {  	_ =	shalt  }
0x68: {  	_ =	shalt  }
0x69: {  	_ =	shalt  }
0x6a: {  	_ =	shalt  }
0x6b: {  	_ =	shalt  }
0x6c: {  	_ =	shalt  }
0x6d: {  	_ =	shalt  }
0x6e: {  	_ =	shalt  }
0x6f: {  	_ =	shalt  }
0x70: {  	_ =	shalt  }
0x71: {  	_ =	shalt  }
0x72: {  	_ =	shalt  }
0x73: {  	_ =	shalt  }
0x74: {  	_ =	shalt  }
0x75: {  	_ =	shalt  }
0x76: {  	_ =	shalt  }
0x77: {  	_ =	shalt  }
0x78: {  	_ =	shalt  }
0x79: {  	_ =	shalt  }
0x7a: {  	_ =	shalt  }
0x7b: {  	_ =	shalt  }
0x7c: {  	_ =	shalt  }
0x7d: {  	_ =	shalt  }
0x7e: {  	_ =	shalt  }
0x7f: {  	_ =	shalt  }
0x80: {  	_ =	shalt  }
0x81: {  	_ =	shalt  }
0x82: {  	_ =	shalt  }
0x83: {  	_ =	shalt  }
0x84: {  	_ =	shalt  }
0x85: {  	_ =	shalt  }
0x86: {  	_ =	shalt  }
0x87: {  	_ =	shalt  }
.Lfunc_end0:
.L_simem_size_0:
called_computation_lowered:
.L_overlay_start_0:
0x88: {  	s2 =	sld [smem:$0x3FD9]  }
0x89: {  	s3 =	sld [smem:$0x3FFE];
	_ =	sdelay $0x1  }
0x8a: {  	s1 =	srdreg.scid  }
0x8b: {  	s0 =	sand.u32 $0x1, s1  }
0x8c: {  	s17 =	sshll.u32 s0, $0xA;
	s2 =	sadd.s32 s3, s2  }
0x8d: {  	s2 =	sadd.s32 s2, s17  }
0x8e: {  	[smem:$0x3FC2] =	sst s2  }
0x8f: {  	_ = 	snop  }
0x90: {  	s2 =	sld [smem:$0x3FD0];
	(tm) =	ssettm $0x1  }
0x91: {  	s18 =	sld [smem:$0x3FFB];
	_ =	sdelay $0x3  }
0x92: {  	_ =	strace s18  }
0x93: {  	s3 =	sld [smem:$0x3FFC];
	_ =	sdelay $0x3  }
0x94: {  	_ =	strace s3  }
0x95: {  	s3 =	sld [smem:$0x3FFD];
	_ =	sdelay $0x3  }
0x96: {  	_ =	strace s3  }
0x97: {  	_ =	strace $0x8FFFFFFF  }
0x98: {  	s19 =	sld [smem:$0x3FDB];
	_ =	sdelay $0x1  }
0x99: {  	s4 =	simm.s32 $_scs_section_size  }
0x9a: {  	s5 =	simm.s32 $_size__tile_overlayer_lowered;
	s6 =	simm.s32 $_tile_overlayer_lowered  }
0x9b: {  	s22 =	simm.s32 $0x1BFF;
	s21 =	sshll.u32 s6, $0x1;
	s3 =	sadd.s32 s4, s19  }
0x9c: {  	s7 =	simm.s32 $0x0;
	s20 =	sshll.u32 s5, $0x1;
	s5 =	sadd.s32 s21, s3  }
0x9d: {  	[timem:s7], [sflag:s22] =	dma.local [hbm:s5], s20  }
0x9e: {  	_ =	swait.ge [sflag:s22], s20  }
0x9f: {  	s4 =	ssub.s32 $0x0, s20;
	[sflag:s22] =	ssyncset.done $0x0  }
0xa0: {  	[sflag:s22] =	ssyncadd.s32 s4;
	_ =	sdelay $0x1  }
0xa1: {  	s23 =	simm.s32 $0x1B8B  }
0xa2: {  	_ =	swait.ge [sflag:s23], $0x1  }
0xa3: {  	[sflag:s23] =	ssyncset.done $0x0  }
0xa4: {  	s25 =	simm.s32 $0x1B8E;
	s24 =	sld [smem:$0x3FFE];
	[sflag:s23] =	ssyncadd.s32 $0xFFFFFFFF  }
0xa5: {  	s26 =	simm.s32 $execute0_lowered;
	[smem:$0x3FD2] =	sst s25  }
0xa6: {  	s5 =	sshll.u32 s26, $0x1;
	_ =	strace $0x80000046;
	[dreg:$0x1] =	wrdreg $0xFFFFFFFF  }
0xa7: {  	s28 =	simm.s32 $_size_execute0_lowered;
	s3 =	sadd.s32 s3, s5;
	[dreg:$0x0] =	wrdreg $0x0  }
0xa8: {  	s5 =	sshll.u32 s28, $0x1;
	[dreg:$0x2] =	wrdreg s3  }
0xa9: {  	[dreg:$0x3] =	wrdreg s5  }
0xaa: {  	[dreg:$0x4] =	wrdreg $0xC0  }
0xab: {  	_ =	task [dreg:s7], $0x5FFFF  }
0xac: {  	[dreg:$0x1] =	wrdreg $0xFFFFFFFF  }
0xad: {  	[dreg:$0x0] =	wrdreg $0x60  }
0xae: {  	[dreg:$0x2] =	wrdreg s24  }
0xaf: {  	[dreg:$0x3] =	wrdreg s2  }
0xb0: {  	[dreg:$0x4] =	wrdreg $0x0  }
0xb1: {  	[dreg:$0x5] =	wrdreg $0x9  }
0xb2: {  	_ =	task.clear_ibuf [dreg:s7], $0x6FFFF;
	_ =	strace $0x90000046  }
0xb3: {  	s29 =	simm.s32 $0x9;
	_ =	strace $0x80000048  }
0xb4: {  	_ =	swait.ge [sflag:s29], $0x1  }
0xb5: {  	[sflag:s29] =	ssyncadd.s32 $0xFFFFFFFF  }
0xb6: {  	_ =	strace $0x90000048  }
0xb7: {  	_ =	sfence  }
0xb8: {  	s30 =	sld [smem:$0x0];
	_ =	sdelay $0x2  }
0xb9: {  	s31 =	sshll.u32 s1, $0xD;
	s1 =	sshrl.u32 s1, $0x2  }
0xba: {  	s3 =	sand.u32 $0x4000, s31;
	s1 =	sadd.s32 s1, s30  }
0xbb: {  	s0 =	sor.u32 s3, s0;
	s1 =	sshll.u32 s1, $0x11  }
0xbc: {  	s0 =	sor.u32 s1, s0  }
0xbd: {  	s0 =	sadd.s32 $0x8F2B, s0  }
0xbe: {  	[sflag:s0] =	ssyncadd.remote.s32 $0x1  }
0xbf: {  	_ =	sfence.sel $0xFFFF  }
0xc0: {  	[dreg:$0x0] =	wrdreg $0xFFFFFFFF;
	(pc) =	sbr.abs _section_cstart, $3  }
0xc1: {  	[dreg:$0x1] =	wrdreg $0xFFFFFFFF  }
0xc2: {  	_ =	task.clear_ibuf [dreg:s7], $0x2FFFF;
	_ =	strace $0x9FFFFFFF  }
0xc3: {  	(tm) =	ssettm $0x7FFFFFFF  }
tec
execute0_lowered:
.L_overlay_start_1:
0x0: {  	(tag) =	ssettag $0x1  }
0x1: {  	s0 =	rddreg [dreg:$0x0]  }
0x2: {  	s2 =	rddreg [dreg:$0x2]  }
0x3: {  	s3 =	srdreg.scid;
	s4 =	simm.s32 $0x0;
	s1 =	stileid.u32  }
0x4: {  	s19 =	simm.s32 $0x3F8;
	s20 =	simm.s32 $0x5;
	s21 =	simm.s32 $0x43F8  }
0x5: {  	s22 =	simm.s32 $0x278;
	s23 =	simm.s32 $0x2F8;
	s28 =	simm.s32 $0x2  }
0x6: {  	s29 =	simm.s32 $0x4;
	s30 =	simm.s32 $0x378;
	s9 =	smul.u32 $0x4E000, s1  }
0x7: {  	s3 =	sand.u32 $0x1, s3;
	[smem:$0x7FF] =	sst s4;
	s26 =	smul.u32 $0x13800, s1  }
0x8: {  	s15 =	sadd.s32 $0x2C00, s0;
	s16 =	sadd.s32 $0x124800, s2;
	s12 =	smul.u32 $0x2710, s1  }
0x9: {  	p0 =	seq.s32 s1, $0xF;
	s5 =	sshll.u32 s3, $0x4;
	s25 =	smul.u32 $0x138800, s3  }
0xa: {  	_ =	strace $0x80000047;
	s6 =	ssub.s32 $0x2, s3;
	s3 =	smul.u32 $0x27100, s3  }
0xb: {  	s16 =	sshrl.u32 @p0 s16, $0x3;
	s5 =	sor.u32 s1, s5;
	s8 =	sshrl.u32 s6, $0x1  }
0xc: {  	s24 =	sshrl.u32 s9, $0x2;
	s7 =	smul.u32 $0x2710, s5;
	s5 =	sadd.s32 $0xCA00, s0  }
0xd: {  	s0 =	sadd.s32 $0xF200, s0;
	s11 =	ssub.s32 s6, s8;
	s18 =	sadd.s32 s24, s2  }
0xe: {  	s9 =	sadd.s32 s26, s25;
	s10 =	sshrl.u32 s25, $0x3;
	s31 =	sadd.s32 s12, s3  }
0xf: {  	s24 =	simm.s32 $0x1;
	s25 =	simm.s32 $0x80;
	s26 =	simm.s32 $0x3  }
0x10: {  	s9 =	sshrl.u32 s9, $0x3;
	s10 =	sadd.s32 s0, s10;
	s11 =	smax.u32 s11, $0x1  }
0x11: {  	s3 =	sadd.s32 $0x200, s31;
	s18 =	sshrl.u32 @!p0 s18, $0x3;
	s7 =	sshrl.u32 s7, $0x3  }
0x12: {  	s9 =	sadd.s32 s0, s9;
	s10 =	sadd.s32 $0x24900, s10;
	s3 =	sshrl.u32 s3, $0x3  }
0x13: {  	s0 =	sadd.s32 $0x180, s31;
	s6 =	sadd.s32 s15, s7;
	s14 =	sadd.s32 s3, s15  }
0x14: {  	s0 =	sshrl.u32 s0, $0x3;
	s7 =	sadd.s32 $0x10, s6;
	s8 =	sadd.s32 $0x4E0, s6  }
0x15: {  	s12 =	sadd.s32 $0x20, s6;
	s15 =	sadd.s32 s0, s15;
	s0 =	sshll.u32 @!p0 s1, $0x6  }
0x16: {  	s13 =	sadd.s32 $0x4D0, s6;
	s17 =	sor.u32 @!p0 $0x1C05, s0;
	s0 =	simm.s32 $0x0  }
.LBB2_1:
0x17: {  	s3 =	simm.s32 @p0 $0x1FC5  }
0x18: {  	[spmem:s16], [sflag:s3] =	dma.local @p0 [hbm:s5], $0x2800  }
0x19: {  	s3 =	simm.s32 @p0 $0x5  }
0x1a: {  	_ =	swait.ge @p0 [sflag:s3], $0x2800  }
0x1b: {  	[sflag:s3] =	ssyncset.done @p0 $0x0  }
0x1c: {  	[sflag:s3] =	ssyncadd.s32 @p0 $0xFFFFD800;
	s3 =	simm.s32 @!p0 $0x5  }
0x1d: {  	[spmem:s18], [sflag:s17] =	dma.local @!p0 [hbm:s5], $0x2700  }
0x1e: {  	_ =	swait.ge @!p0 [sflag:s3], $0x2700  }
0x1f: {  	[sflag:s3] =	ssyncset.done @!p0 $0x0  }
0x20: {  	[sflag:s3] =	ssyncadd.s32 @!p0 $0xFFFFD900  }
0x21: {  	s1 =	rddreg [dreg:$0x1]  }
0x22: {  	[tilespmem:s19], [sflag:$0x5] =	stream.linear.gather [hbm4b:s1+s4], $0x4000, $0x38;
	[tilespmem:$0x4BF8] =	vst v63  }
0x23: {  	_ =	swait.ge [sflag:s20], $0x4000  }
0x24: {  	[sflag:s20] =	ssyncset.done $0x0  }
0x25: {  	[sflag:s20] =	ssyncadd.s32 $0xFFFFC000  }
0x26: {  	[tilespmem:s21], [sflag:$0x5] =	stream.linear.gather [hbm4b:s1+s4], $0x800, $0x38;
	[tilespmem:$0x4BF8] =	vst v63  }
0x27: {  	_ =	swait.ge [sflag:s20], $0x800  }
0x28: {  	[sflag:s20] =	ssyncset.done $0x0  }
0x29: {  	[sflag:s20] =	ssyncadd.s32 $0xFFFFF800  }
0x2a: {  	[bflag:$0x0] =	sbarrier.arrive $0xFFFF  }
0x2b: {  	[tilespmem:s22], [sflag:$0x1] =	stream.linear.gather [hbm4b:s6+s4], $0x80, $0x38;
	[tilespmem:$0x4BF8] =	vst v63  }
0x2c: {  	_ = 	snop  }
0x2d: {  	[tilespmem:s23], [sflag:$0x2] =	stream.linear.gather [hbm4b:s7+s4], $0x80, $0x38;
	[tilespmem:$0x4BF8] =	vst v63  }
0x2e: {  	_ =	swait.ge [sflag:s24], $0x80  }
0x2f: {  	[sflag:s24] =	ssyncset.done $0x0  }
0x30: {  	[sflag:s24] =	ssyncadd.s32 $0xFFFFFF80  }
0x31: {  	[spmem:s2] =	stream.indirect.scatter.add.f32 [tilespmem:s19], [sflag:$0x3], $0x1, s22, s25, $0xb8;
	[tilespmem:$0x4BF8] =	vst v63  }
0x32: {  	_ =	swait.ge [sflag:s26], $0x80  }
0x33: {  	[sflag:s26] =	ssyncset.done $0x0  }
0x34: {  	[sflag:s26] =	ssyncadd.s32 $0xFFFFFF80  }
0x35: {  	[tilespmem:s22], [sflag:$0x1] =	stream.linear.gather [hbm4b:s12+s4], $0x80, $0x38;
	[tilespmem:$0x4BF8] =	vst v63  }
0x36: {  	_ =	swait.ge [sflag:s28], $0x80  }
0x37: {  	[sflag:s28] =	ssyncset.done $0x0  }
0x38: {  	[sflag:s28] =	ssyncadd.s32 $0xFFFFFF80  }
0x39: {  	[spmem:s2] =	stream.indirect.scatter.add.f32 [tilespmem:s19], [sflag:$0x4], $0x1, s23, s25, $0xb8;
	[tilespmem:$0x4BF8] =	vst v63  }
0x3a: {  	_ =	swait.ge [sflag:s29], $0x80  }
0x3b: {  	[sflag:s29] =	ssyncset.done $0x0  }
0x3c: {  	s1 =	sadd.s32 $0x0, s15;
	[sflag:s29] =	ssyncadd.s32 $0xFFFFFF80  }
0x3d: {  	[tilespmem:s23], [sflag:$0x2] =	stream.linear.gather [hbm4b:s1+s4], $0x80, $0x38;
	[tilespmem:$0x4BF8] =	vst v63  }
0x3e: {  	_ =	swait.ge [sflag:s24], $0x80  }
0x3f: {  	[sflag:s24] =	ssyncset.done $0x0  }
0x40: {  	[sflag:s24] =	ssyncadd.s32 $0xFFFFFF80  }
0x41: {  	[spmem:s2] =	stream.indirect.scatter.add.f32 [tilespmem:s19], [sflag:$0x3], $0x1, s22, s25, $0xb8;
	[tilespmem:$0x4BF8] =	vst v63  }
0x42: {  	_ =	swait.ge [sflag:s26], $0x80  }
0x43: {  	[sflag:s26] =	ssyncset.done $0x0  }
0x44: {  	s31 =	sadd.s32 $0x0, s14;
	[sflag:s26] =	ssyncadd.s32 $0xFFFFFF80  }
0x45: {  	[tilespmem:s22], [sflag:$0x1] =	stream.linear.gather [hbm4b:s31+s4], $0x80, $0x38;
	[tilespmem:$0x4BF8] =	vst v63  }
0x46: {  	_ =	swait.ge [sflag:s28], $0x80  }
0x47: {  	[sflag:s28] =	ssyncset.done $0x0  }
0x48: {  	s3 =	simm.s32 $0x20;
	[sflag:s28] =	ssyncadd.s32 $0xFFFFFF80  }
.LBB2_2:
0x49: {  	[spmem:s2] =	stream.indirect.scatter.add.f32 [tilespmem:s19], [sflag:$0x4], $0x1, s23, s25, $0xb8;
	[tilespmem:$0x4BF8] =	vst v63  }
0x4a: {  	s31 =	smov.u32 s3  }
0x4b: {  	p1 =	sne.s32 s3, $0x480;
	s3 =	sadd.s32 $0x20, s3;
	_ =	swait.ge [sflag:s29], $0x80  }
0x4c: {  	[sflag:s29] =	ssyncset.done $0x0  }
0x4d: {  	s1 =	sadd.s32 s31, s15;
	[sflag:s29] =	ssyncadd.s32 $0xFFFFFF80  }
0x4e: {  	[tilespmem:s23], [sflag:$0x2] =	stream.linear.gather [hbm4b:s1+s4], $0x80, $0x38;
	[tilespmem:$0x4BF8] =	vst v63  }
0x4f: {  	_ =	swait.ge [sflag:s24], $0x80  }
0x50: {  	[sflag:s24] =	ssyncset.done $0x0  }
0x51: {  	[sflag:s24] =	ssyncadd.s32 $0xFFFFFF80  }
0x52: {  	[spmem:s2] =	stream.indirect.scatter.add.f32 [tilespmem:s19], [sflag:$0x3], $0x1, s22, s25, $0xb8;
	[tilespmem:$0x4BF8] =	vst v63  }
0x53: {  	_ =	swait.ge [sflag:s26], $0x80  }
0x54: {  	[sflag:s26] =	ssyncset.done $0x0  }
.Ltmp0:
0x55: {  	s1 =	sadd.s32 s31, s14;
	[sflag:s26] =	ssyncadd.s32 $0xFFFFFF80;
	(pc) =	sbr.rel @p1 .LBB2_2-.Ltmp0, $4  }
0x56: {  	[tilespmem:s22], [sflag:$0x1] =	stream.linear.gather [hbm4b:s1+s4], $0x80, $0x38;
	[tilespmem:$0x4BF8] =	vst v63  }
0x57: {  	_ =	swait.ge [sflag:s28], $0x80  }
0x58: {  	[sflag:s28] =	ssyncset.done $0x0  }
0x59: {  	[sflag:s28] =	ssyncadd.s32 $0xFFFFFF80  }
0x5a: {  	[spmem:s2] =	stream.indirect.scatter.add.f32 [tilespmem:s19], [sflag:$0x4], $0x1, s23, s25, $0xb8;
	[tilespmem:$0x4BF8] =	vst v63  }
0x5b: {  	_ =	swait.ge [sflag:s29], $0x80  }
0x5c: {  	[sflag:s29] =	ssyncset.done $0x0  }
0x5d: {  	[sflag:s29] =	ssyncadd.s32 $0xFFFFFF80  }
0x5e: {  	[tilespmem:s23], [sflag:$0x2] =	stream.linear.gather [hbm4b:s13+s4], $0x80, $0x38;
	[tilespmem:$0x4BF8] =	vst v63  }
0x5f: {  	_ =	swait.ge [sflag:s24], $0x80  }
0x60: {  	[sflag:s24] =	ssyncset.done $0x0  }
0x61: {  	[sflag:s24] =	ssyncadd.s32 $0xFFFFFF80  }
0x62: {  	[spmem:s2] =	stream.indirect.scatter.add.f32 [tilespmem:s19], [sflag:$0x3], $0x1, s22, s25, $0xb8;
	[tilespmem:$0x4BF8] =	vst v63  }
0x63: {  	_ =	swait.ge [sflag:s28], $0x80  }
0x64: {  	[sflag:s28] =	ssyncset.done $0x0  }
0x65: {  	[sflag:s28] =	ssyncadd.s32 $0xFFFFFF80  }
0x66: {  	[spmem:s2] =	stream.indirect.scatter.add.f32 [tilespmem:s19], [sflag:$0x4], $0x1, s23, s25, $0xb8;
	[tilespmem:$0x4BF8] =	vst v63  }
0x67: {  	_ =	swait.ge [sflag:s26], $0x80  }
0x68: {  	[sflag:s26] =	ssyncset.done $0x0  }
0x69: {  	[sflag:s26] =	ssyncadd.s32 $0xFFFFFF80  }
0x6a: {  	_ =	swait.ge [sflag:s29], $0x80  }
0x6b: {  	[sflag:s29] =	ssyncset.done $0x0  }
0x6c: {  	[sflag:s29] =	ssyncadd.s32 $0xFFFFFF80  }
0x6d: {  	[tilespmem:s30], [sflag:$0x5] =	stream.linear.gather [hbm4b:s8+s4], $0x10, $0x38;
	[tilespmem:$0x4BF8] =	vst v63  }
0x6e: {  	_ =	swait.ge [sflag:s20], $0x10  }
0x6f: {  	[sflag:s20] =	ssyncset.done $0x0  }
0x70: {  	s1 =	simm.s32 $0x10;
	[sflag:s20] =	ssyncadd.s32 $0xFFFFFFF0  }
0x71: {  	[spmem:s2] =	stream.indirect.scatter.add.f32 [tilespmem:s21], [sflag:$0x5], $0x1, s30, s1, $0xb8;
	[tilespmem:$0x4BF8] =	vst v63  }
0x72: {  	_ =	swait.ge [sflag:s20], $0x10  }
0x73: {  	[sflag:s20] =	ssyncset.done $0x0  }
0x74: {  	[sflag:s20] =	ssyncadd.s32 $0xFFFFFFF0  }
0x75: {  	s1 =	simm.s32 @p0 $0x1FC5;
	[bflag:$0x0] =	sbarrier.arrive $0xFFFF  }
0x76: {  	[hbm:s10], [sflag:s1] =	dma.local @p0 [spmem:s16], $0x2800  }
0x77: {  	s1 =	simm.s32 @p0 $0x5  }
0x78: {  	s0 =	sadd.s32 $0x1, s0;
	_ =	swait.ge @p0 [sflag:s1], $0x2800  }
0x79: {  	p1 =	sne.s32 s0, s11;
	[sflag:s1] =	ssyncset.done @p0 $0x0  }
.Ltmp1:
0x7a: {  	[sflag:s1] =	ssyncadd.s32 @p0 $0xFFFFD800;
	s1 =	simm.s32 @!p0 $0x5;
	(pc) =	sbr.rel @p1 .LBB2_1-.Ltmp1, $4  }
0x7b: {  	[hbm:s9], [sflag:s17] =	dma.local @!p0 [spmem:s18], $0x2700  }
0x7c: {  	_ =	swait.ge @!p0 [sflag:s1], $0x2700  }
0x7d: {  	[sflag:s1] =	ssyncset.done @!p0 $0x0  }
0x7e: {  	[sflag:s1] =	ssyncadd.s32 @!p0 $0xFFFFD900  }
0x7f: {  	_ =	sfence.sel $0x180000  }
0x80: {  	[bflag:$0x0] =	sbarrier.arrive $0xFFFF  }
0x81: {  	_ =	strace $0x90000047  }
0x82: {  	s0 =	stileid.u32;
	[bflag:$0x2] =	sbarrier.arrive $0xFFFF  }
0x83: {  	p0 =	sne.s32 s0, $0x0;
	s0 =	rddreg [dreg:$0x3]  }
0x84: {  	s0 =	sadd.s32 @!p0 $0x100000, s0  }
0x85: {  	[sflag:s0] =	ssyncadd.tile.s32 @!p0 $0x1;
	_ =	shalt  }
.Lfunc_end2:
_tile_overlayer_lowered:
.L_overlay_start_2:
0x86: {  	(tag) =	ssettag $0x2  }
0x87: {  	s0 =	rddreg [dreg:$0x0];
	s2 =	stileid.u32  }
0x88: {  	s1 =	rddreg [dreg:$0x1];
	p0 =	sne.s32 s2, $0x0  }
0x89: {  	s3 =	rddreg [dreg:$0x2];
	[bflag:$0x3] =	sbarrier.arrive $0xFFFF;
	s2 =	simm.s32 @!p0 $0x1C05  }
0x8a: {  	[timem:s3], [sflag:s2] =	dma.local @!p0 [hbm:s0], s1  }
0x8b: {  	s0 =	simm.s32 @!p0 $0x5  }
0x8c: {  	_ =	swait.ge @!p0 [sflag:s0], s1  }
0x8d: {  	s1 =	ssub.s32 @!p0 $0x0, s1;
	[sflag:s0] =	ssyncset.done @!p0 $0x0  }
0x8e: {  	[sflag:s0] =	ssyncadd.s32 @!p0 s1  }
0x8f: {  	[bflag:$0x3] =	sbarrier.arrive $0xFFFF  }
0x90: {  	_ =	shalt  }

</sc_bundles>
